<compile_context>
chip_gen: v7x
topology: tpu7x:2x2x1
jax: 0.10.2.dev20260603
libtpu: 0.0.44.dev20260713+nightly
codegen_flags: <defaults>
</compile_context>

<pallas_src>
import functools

import jax
import jax.numpy as jnp
from jax import lax
from jax.experimental import pallas as pl
from jax.experimental.pallas import tpu as pltpu
from jax.experimental.pallas import tpu_sc as plsc



def _tap_conv_body(x_ref, w_ref, b_ref, o_ref, *, taps, oh, ow, relu,
                   out_pad):
    acc = None
    for t, (dy, dx) in enumerate(taps):
        xt = x_ref[0, dy:dy + oh, dx:dx + ow, :].reshape(oh * ow, -1)
        p = jnp.dot(xt, w_ref[t], preferred_element_type=jnp.float32)
        acc = p if acc is None else acc + p
    acc = acc + b_ref[...]
    if relu:
        acc = jnp.maximum(acc, 0.0)
    if not out_pad:
        o_ref[0] = acc
    else:
        m = acc.shape[1]
        o_ref[0, 1:oh + 1, 1:ow + 1, :] = acc.reshape(oh, ow, m)
        o_ref[0, 0:1, :, :] = jnp.zeros((1, ow + 2, m), jnp.float32)
        o_ref[0, oh + 1:oh + 2, :, :] = jnp.zeros((1, ow + 2, m),
                                                  jnp.float32)
        o_ref[0, 1:oh + 1, 0:1, :] = jnp.zeros((oh, 1, m), jnp.float32)
        o_ref[0, 1:oh + 1, ow + 1:ow + 2, :] = jnp.zeros((oh, 1, m),
                                                         jnp.float32)


def _tap_conv(ximg, w, b, taps, oh, ow, relu, out_pad=False):
    bsz, hh, ww, cc = ximg.shape
    tt, _, m = w.shape
    if out_pad:
        out_spec = pl.BlockSpec((1, oh + 2, ow + 2, m),
                                lambda i: (i, 0, 0, 0))
        out_shape = jax.ShapeDtypeStruct((bsz, oh + 2, ow + 2, m),
                                         jnp.float32)
    else:
        out_spec = pl.BlockSpec((1, oh * ow, m), lambda i: (i, 0, 0))
        out_shape = jax.ShapeDtypeStruct((bsz, oh * ow, m), jnp.float32)
    return pl.pallas_call(
        functools.partial(_tap_conv_body, taps=taps, oh=oh, ow=ow,
                          relu=relu, out_pad=out_pad),
        grid=(bsz,),
        in_specs=[
            pl.BlockSpec((1, hh, ww, cc), lambda i: (i, 0, 0, 0)),
            pl.BlockSpec((tt, cc, m), lambda i: (0, 0, 0)),
            pl.BlockSpec((1, m), lambda i: (0, 0)),
        ],
        out_specs=out_spec,
        out_shape=out_shape,
    )(ximg, w, b.reshape(1, m))


def _qprep_body(q_ref, quant_ref, qp_ref, *, oh, d):
    q = q_ref[0][:, :d]
    quant_ref[0] = q.T
    qp_ref[0, 1:oh + 1, 1:oh + 1, :] = q.reshape(oh, oh, d)
    qp_ref[0, 0:1, :, :] = jnp.zeros((1, oh + 2, d), jnp.float32)
    qp_ref[0, oh + 1:oh + 2, :, :] = jnp.zeros((1, oh + 2, d), jnp.float32)
    qp_ref[0, 1:oh + 1, 0:1, :] = jnp.zeros((oh, 1, d), jnp.float32)
    qp_ref[0, 1:oh + 1, oh + 1:oh + 2, :] = jnp.zeros((oh, 1, d),
                                                      jnp.float32)


def _qprep(q128, oh, d):
    bsz, n, dd = q128.shape
    return pl.pallas_call(
        functools.partial(_qprep_body, oh=oh, d=d),
        grid=(bsz,),
        in_specs=[pl.BlockSpec((1, n, dd), lambda i: (i, 0, 0))],
        out_specs=[
            pl.BlockSpec((1, d, n), lambda i: (i, 0, 0)),
            pl.BlockSpec((1, oh + 2, oh + 2, d), lambda i: (i, 0, 0, 0)),
        ],
        out_shape=[
            jax.ShapeDtypeStruct((bsz, d, n), jnp.float32),
            jax.ShapeDtypeStruct((bsz, oh + 2, oh + 2, d), jnp.float32),
        ],
    )(q128)


def _conv1_body(x_ref, w_ref, b_ref, o_ref, *, gh):
    acc = None
    for t, (dy, dx) in enumerate(_TAPS4):
        xt = x_ref[0, dy:dy + gh, dx:dx + gh, :].reshape(gh * gh, -1)
        p = jnp.dot(xt, w_ref[t], preferred_element_type=jnp.float32)
        acc = p if acc is None else acc + p
    acc = jnp.maximum(acc + b_ref[...], 0.0)
    m = acc.shape[1]
    o_ref[0] = acc.reshape(gh, gh, m)
    c4 = m // 4
    o_ref[0, 0:1, :, 0:2 * c4] = jnp.zeros((1, gh, 2 * c4), jnp.float32)
    o_ref[0, gh - 1:gh, :, 2 * c4:] = jnp.zeros((1, gh, 2 * c4), jnp.float32)
    for py in range(2):
        o_ref[0, :, 0:1, py * 2 * c4:py * 2 * c4 + c4] = (
            jnp.zeros((gh, 1, c4), jnp.float32))
        o_ref[0, :, gh - 1:gh, py * 2 * c4 + c4:(py + 1) * 2 * c4] = (
            jnp.zeros((gh, 1, c4), jnp.float32))


def _conv1(ximg, w, b, gh):
    bsz, hh, ww, cc = ximg.shape
    tt, kk, m = w.shape
    return pl.pallas_call(
        functools.partial(_conv1_body, gh=gh),
        grid=(bsz,),
        in_specs=[
            pl.BlockSpec((1, hh, ww, cc), lambda i: (i, 0, 0, 0)),
            pl.BlockSpec((tt, kk, m), lambda i: (0, 0, 0)),
            pl.BlockSpec((1, m), lambda i: (0, 0)),
        ],
        out_specs=pl.BlockSpec((1, gh, gh, m), lambda i: (i, 0, 0, 0)),
        out_shape=jax.ShapeDtypeStruct((bsz, gh, gh, m), jnp.float32),
    )(ximg, w, b.reshape(1, m))


def _conv2_vq_body(x_ref, w_ref, b_ref, cb_ref, lat_ref, idx_ref, *, oh, ow):
    acc = None
    for t, (dy, dx) in enumerate([(0, 0), (0, 1), (1, 0), (1, 1)]):
        xt = x_ref[0, dy:dy + oh, dx:dx + ow, :].reshape(oh * ow, -1)
        p = jnp.dot(xt, w_ref[t], preferred_element_type=jnp.float32)
        acc = p if acc is None else acc + p
    z = acc + b_ref[...]
    lat_ref[0] = z.T
    cb = cb_ref[...]
    zn = jnp.sum(z * z, axis=1, keepdims=True)
    cn = jnp.sum(cb * cb, axis=1)
    scores = zn - 2.0 * jnp.dot(z, cb.T, preferred_element_type=jnp.float32)
    scores = scores + cn[None, :]
    kk = scores.shape[1]
    mins = jnp.min(scores, axis=1, keepdims=True)
    kiota = lax.broadcasted_iota(jnp.int32, scores.shape, 1
                                 ).astype(jnp.float32)
    idxf = jnp.min(jnp.where(scores <= mins, kiota, float(kk)), axis=1)
    idx = jnp.minimum(idxf, float(kk - 1)).astype(jnp.int32)
    idx_ref[0, 0] = idx


def _conv2_vq(ximg, w, b, codebook, oh, ow):
    bsz, hh, ww, cc = ximg.shape
    tt, _, m = w.shape
    kk = codebook.shape[0]
    n = oh * ow
    lat, idx = pl.pallas_call(
        functools.partial(_conv2_vq_body, oh=oh, ow=ow),
        grid=(bsz,),
        in_specs=[
            pl.BlockSpec((1, hh, ww, cc), lambda i: (i, 0, 0, 0)),
            pl.BlockSpec((tt, cc, m), lambda i: (0, 0, 0)),
            pl.BlockSpec((1, m), lambda i: (0, 0)),
            pl.BlockSpec((kk, m), lambda i: (0, 0)),
        ],
        out_specs=[
            pl.BlockSpec((1, m, n), lambda i: (i, 0, 0)),
            pl.BlockSpec((1, 1, n), lambda i: (i, 0, 0)),
        ],
        out_shape=[
            jax.ShapeDtypeStruct((bsz, m, n), jnp.float32),
            jax.ShapeDtypeStruct((bsz, 1, n), jnp.int32),
        ],
    )(ximg, w, b.reshape(1, m), codebook)
    return lat, idx.reshape(bsz * n)



def _sc_gather(codebook, idx):
    b = idx.shape[0]
    d = 128
    codebook = jnp.pad(codebook, ((0, 0), (0, d - codebook.shape[1])))
    nc, ns = 2, 16
    nw = nc * ns
    bpw = b // nw
    assert b == bpw * nw and (bpw * nw) % 8 == 0
    mesh = plsc.VectorSubcoreMesh(core_axis_name="c", subcore_axis_name="s")

    @functools.partial(
        pl.kernel,
        mesh=mesh,
        out_type=jax.ShapeDtypeStruct((b, d), jnp.float32),
        scratch_types=[
            pltpu.VMEM((7, bpw // 7), jnp.int32),
            pltpu.VMEM((7, bpw // 7, d), jnp.float32),
            pltpu.SemaphoreType.DMA,
        ],
    )
    def gather_k(cb_hbm, idx_hbm, out_hbm, idx_v, rows_v, sem):
        wid = lax.axis_index("s") * nc + lax.axis_index("c")
        base = wid * bpw
        csz = bpw // 7
        for j in range(7):
            pltpu.sync_copy(idx_hbm.at[pl.ds(base + j * csz, csz)],
                            idx_v.at[j])
        cps = [pltpu.async_copy(cb_hbm.at[idx_v.at[j]], rows_v.at[j], sem)
               for j in range(7)]
        for cp in cps:
            cp.wait()
        for j in range(7):
            pltpu.sync_copy(rows_v.at[j],
                            out_hbm.at[pl.ds(base + j * csz, csz)])

    return gather_k(codebook, idx)



def _enc_tap_w(w):
    o, i = w.shape[0], w.shape[1]
    mats = []
    for dy in range(2):
        for dx in range(2):
            sub = w[:, :, 2 * dy:2 * dy + 2, 2 * dx:2 * dx + 2]
            mats.append(jnp.transpose(sub, (2, 3, 1, 0)).reshape(4 * i, o))
    return jnp.stack(mats)


def _conv1_tap_w(w):
    o, i = w.shape[0], w.shape[1]
    wt = jnp.transpose(w, (1, 0, 2, 3))
    zero = jnp.zeros((i, o), jnp.float32)
    taps = []
    for ty in range(2):
        for tx in range(2):
            rows = []
            for vy in range(4):
                for vx in range(4):
                    cols = []
                    for py in range(2):
                        ky = vy - 2 * py - 2 + 4 * ty
                        for px in range(2):
                            kx = vx - 2 * px - 2 + 4 * tx
                            if 0 <= ky < 4 and 0 <= kx < 4:
                                cols.append(wt[:, :, ky, kx])
                            else:
                                cols.append(zero)
                    rows.append(jnp.concatenate(cols, axis=1))
            wt16 = jnp.concatenate(rows, axis=0)
            wt16 = jnp.transpose(wt16.reshape(4, 4, i, 4 * o),
                                 (2, 0, 1, 3)).reshape(16 * i, 4 * o)
            taps.append(wt16)
    return jnp.stack(taps)


def _dec1_tap_w(w):
    o, i = w.shape[0], w.shape[1]
    wt = jnp.transpose(w, (1, 0, 2, 3))
    zero = jnp.zeros((i, o), jnp.float32)
    taps = []
    for ty in range(3):
        for tx in range(3):
            cols = []
            for py in range(2):
                for px in range(2):
                    dy, dx = ty - py, tx - px
                    if dy in (0, 1) and dx in (0, 1):
                        cols.append(wt[:, :, 2 * dy + py, 2 * dx + px])
                    else:
                        cols.append(zero)
            taps.append(jnp.concatenate(cols, axis=1))
    return jnp.stack(taps)


def _dec2_tap_w(w):
    o, i = w.shape[0], w.shape[1]
    wt = jnp.transpose(w, (1, 0, 2, 3))
    zero = jnp.zeros((i, o), jnp.float32)
    taps = []
    for tj in range(3):
        for ti in range(3):
            rows = []
            for pg in range(2):
                for pxg in range(2):
                    cols = []
                    for ry in range(4):
                        qy = ry % 2
                        dy = pg - ry // 2 - qy + 1 + 2 * (tj - 1)
                        for rx in range(4):
                            qx = rx % 2
                            dx = pxg - rx // 2 - qx + 1 + 2 * (ti - 1)
                            if dy in (0, 1) and dx in (0, 1):
                                cols.append(wt[:, :, 2 * dy + qy,
                                               2 * dx + qx])
                            else:
                                cols.append(zero)
                    rows.append(jnp.concatenate(cols, axis=1))
            taps.append(jnp.concatenate(rows, axis=0))
    return jnp.stack(taps)


_TAPS4 = [(0, 0), (0, 1), (1, 0), (1, 1)]
_TAPS9 = [(ty, tx) for ty in range(3) for tx in range(3)]



def kernel(x, enc_w1, enc_b1, enc_w2, enc_b2, codebook,
           dec_w1, dec_b1, dec_w2, dec_b2):
    b = x.shape[0]
    d = enc_w1.shape[0]
    h1 = x.shape[2] // 2
    h2 = h1 // 2
    co = dec_w2.shape[0]

    ci = x.shape[1]
    gh = (x.shape[2] + 4) // 4
    xp = jnp.pad(x, ((0, 0), (0, 0), (5, 3), (5, 3)))
    xs4 = xp.reshape(b, ci, gh + 1, 4, gh + 1, 4)
    xs4 = jnp.transpose(xs4, (0, 2, 4, 1, 3, 5))
    xs4 = xs4.reshape(b, gh + 1, gh + 1, 16 * ci)
    hs = _conv1(xs4, _conv1_tap_w(enc_w1), jnp.tile(enc_b1, 4), gh)

    lat, idx_flat = _conv2_vq(hs, _enc_tap_w(enc_w2), enc_b2, codebook,
                              h2, h2)

    q128 = _sc_gather(codebook, idx_flat)
    quant2, qp = _qprep(q128.reshape(b, h2 * h2, 128), h2, d)

    gsp = _tap_conv(qp, _dec1_tap_w(dec_w1), jnp.tile(dec_b1, 4),
                    _TAPS9, h2, h2, True, out_pad=True)

    y = _tap_conv(gsp, _dec2_tap_w(dec_w2), jnp.tile(dec_b2, 16),
                  _TAPS9, h2, h2, False)
    x_hat = jnp.transpose(y.reshape(b, h2, h2, 4, 4, co),
                          (0, 5, 1, 3, 2, 4)).reshape(b, co, 4 * h2, 4 * h2)
    latent = lat.reshape(b, d, h2, h2)
    quantized = quant2.reshape(b, d, h2, h2)
    return (x_hat, quantized, latent, idx_flat.reshape(b, h2, h2))

# --- scband reference (transcript-rebuilt; emitter-appended) ---
"""Pipeline reference for scband-simple-vqvae-11252814315947 (READ-ONLY COPY).

The authoritative reference and input builder live on the scoring server;
editing this copy changes nothing except your own understanding.
"""

import jax, jax.numpy as jnp
import numpy as np


def conv2d(x, w, b, stride, pad):
    y = jax.lax.conv_general_dilated(x, w, (stride, stride), ((pad, pad), (pad, pad)),
                                     dimension_numbers=('NCHW', 'OIHW', 'NCHW'))
    return y + b[None, :, None, None]


def conv_transpose2d(x, w, b):
    y = jax.lax.conv_transpose(x, w, (2, 2), 'SAME',
                               dimension_numbers=('NCHW', 'OIHW', 'NCHW'))
    return y + b[None, :, None, None]


def setup_inputs(seed: int = 0) -> dict:
    key = jax.random.key(seed)
    ks = jax.random.split(key, 12)
    D = 64
    K = 1024
    x = jax.random.normal(ks[0], (8, 3, 224, 224), dtype=jnp.float32)
    enc_w1 = jax.random.normal(ks[1], (D, 3, 4, 4), dtype=jnp.float32) * 0.05
    enc_b1 = jnp.zeros((D,), dtype=jnp.float32)
    enc_w2 = jax.random.normal(ks[2], (D, D, 4, 4), dtype=jnp.float32) * 0.05
    enc_b2 = jnp.zeros((D,), dtype=jnp.float32)
    codebook = jax.random.normal(ks[3], (K, D), dtype=jnp.float32) * 0.05
    dec_w1 = jax.random.normal(ks[4], (D, D, 4, 4), dtype=jnp.float32) * 0.05
    dec_b1 = jnp.zeros((D,), dtype=jnp.float32)
    dec_w2 = jax.random.normal(ks[5], (3, D, 4, 4), dtype=jnp.float32) * 0.05
    dec_b2 = jnp.zeros((3,), dtype=jnp.float32)
    return {"x": x, "enc_w1": enc_w1, "enc_b1": enc_b1, "enc_w2": enc_w2, "enc_b2": enc_b2,
            "codebook": codebook, "dec_w1": dec_w1, "dec_b1": dec_b1, "dec_w2": dec_w2, "dec_b2": dec_b2}


def reference(x, enc_w1, enc_b1, enc_w2, enc_b2, codebook, dec_w1, dec_b1, dec_w2, dec_b2):
    # Encoder: 2x strided conv (4x spatial downsample), ReLU between
    h = conv2d(x, enc_w1, enc_b1, 2, 1)
    h = jax.nn.relu(h)
    latent = conv2d(h, enc_w2, enc_b2, 2, 1)  # [B, D, 56, 56]

    # Vector quantizer
    B, D, H, W = latent.shape
    z = jnp.transpose(latent, (0, 2, 3, 1)).reshape(-1, D)  # [N, D]
    dists = (jnp.sum(z * z, axis=1, keepdims=True)
             - 2.0 * z @ codebook.T
             + jnp.sum(codebook * codebook, axis=1)[None, :])
    encoding_indices = jnp.argmin(dists, axis=1)  # [N]
    q = jnp.take(codebook, encoding_indices, axis=0).reshape(B, H, W, D)
    quantized = jnp.transpose(q, (0, 3, 1, 2))  # [B, D, 56, 56]
    quantized_with_grad = latent + jax.lax.stop_gradient(quantized - latent)

    # Decoder: 2x conv transpose (4x spatial upsample), ReLU between
    g = conv_transpose2d(quantized_with_grad, dec_w1, dec_b1)
    g = jax.nn.relu(g)
    x_hat = conv_transpose2d(g, dec_w2, dec_b2)  # [B, 3, 224, 224]

    return (x_hat, quantized, latent, encoding_indices.reshape(B, H, W))

if __name__ == "__main__":
    import jax
    _d = setup_inputs()
    print(jax.jit(kernel)(*tuple(_d.values())))

</pallas_src>

<mosaic_0001>
#map = affine_map<(d0, d1) -> (0, 0)>
#map1 = affine_map<(d0, d1) -> (0)>
module attributes {stable_mosaic.version = 14 : i64} {
  func.func @gather_k(%arg0: i32, %arg1: i32, %arg2: memref<1024x128xf32, #tpu.memory_space<hbm>>, %arg3: memref<25088xi32, #tpu.memory_space<hbm>>, %arg4: memref<25088x128xf32, #tpu.memory_space<hbm>>, %arg5: memref<7x112xi32, #tpu.memory_space<vmem>>, %arg6: memref<7x112x128xf32, #tpu.memory_space<vmem>>, %arg7: memref<!tpu.dma_semaphore, #tpu.memory_space<semaphore_mem>>) attributes {dimension_semantics = [#tpu.dimension_semantics<core_parallel>, #tpu.dimension_semantics<subcore_parallel>], iteration_bounds = array<i64: 2, 16>, scalar_prefetch = 0 : i64, scratch_operands = 3 : i64, tpu.core_type = #tpu.core_type<sc_vector_subcore>, window_params = [{transform_indices = #map}, {transform_indices = #map1}, {transform_indices = #map}]} {
    %mul3A = arith.constant 2 : i32
    %mul3A_0 = arith.muli %arg1, %mul3A : i32
    %add3A = arith.addi %mul3A_0, %arg0 : i32
    %mul3A_1 = arith.constant 784 : i32
    %mul3A_2 = arith.muli %add3A, %mul3A_1 : i32
    %add3A_3 = arith.constant 0 : i32
    %add3A_4 = arith.addi %mul3A_2, %add3A_3 : i32
    %run_scoped3A = arith.constant 0 : i32
    "tpu.region"() ({
      %run_scoped3A_210 = tpu.sem_alloc : memref<!tpu.dma_semaphore, #tpu.memory_space<semaphore_mem>>
      %dma_start3A_211 = arith.constant 0 : i32
      %dma_start3A_212 = tpu.memref_slice %arg5[%run_scoped3A, %dma_start3A_211] : memref<7x112xi32, #tpu.memory_space<vmem>> -> memref<1x112xi32, #tpu.memory_space<vmem>>
      %dma_start3A_213 = tpu.memref_squeeze %dma_start3A_212 : memref<1x112xi32, #tpu.memory_space<vmem>> -> memref<112xi32, #tpu.memory_space<vmem>>
      %dma_start3A_214 = tpu.memref_slice %arg3[%add3A_4] : memref<25088xi32, #tpu.memory_space<hbm>> -> memref<112xi32, #tpu.memory_space<hbm>>
      %dma_start3A_215 = arith.constant 0 : i32
      %dma_start3A_216 = tpu.memref_slice %arg5[%run_scoped3A, %dma_start3A_215] : memref<7x112xi32, #tpu.memory_space<vmem>> -> memref<1x112xi32, #tpu.memory_space<vmem>>
      %dma_start3A_217 = tpu.memref_squeeze %dma_start3A_216 : memref<1x112xi32, #tpu.memory_space<vmem>> -> memref<112xi32, #tpu.memory_space<vmem>>
      %dma_start3A_218 = tpu.memref_slice %arg3[%add3A_4] : memref<25088xi32, #tpu.memory_space<hbm>> -> memref<112xi32, #tpu.memory_space<hbm>>
      tpu.enqueue_dma source(%dma_start3A_218 : memref<112xi32, #tpu.memory_space<hbm>>) target(%dma_start3A_217 : memref<112xi32, #tpu.memory_space<vmem>>) target_semaphore(%run_scoped3A_210 : memref<!tpu.dma_semaphore, #tpu.memory_space<semaphore_mem>>)
      %dma_wait3A_219 = arith.constant 0 : i32
      %dma_wait3A_220 = tpu.memref_slice %arg5[%run_scoped3A, %dma_wait3A_219] : memref<7x112xi32, #tpu.memory_space<vmem>> -> memref<1x112xi32, #tpu.memory_space<vmem>>
      %dma_wait3A_221 = tpu.memref_squeeze %dma_wait3A_220 : memref<1x112xi32, #tpu.memory_space<vmem>> -> memref<112xi32, #tpu.memory_space<vmem>>
      %dma_wait3A_222 = tpu.memref_slice %arg3[%add3A_4] : memref<25088xi32, #tpu.memory_space<hbm>> -> memref<112xi32, #tpu.memory_space<hbm>>
      %dma_wait3A_223 = arith.constant 0 : i32
      %dma_wait3A_224 = tpu.memref_slice %arg5[%run_scoped3A, %dma_wait3A_223] : memref<7x112xi32, #tpu.memory_space<vmem>> -> memref<1x112xi32, #tpu.memory_space<vmem>>
      %dma_wait3A_225 = tpu.memref_squeeze %dma_wait3A_224 : memref<1x112xi32, #tpu.memory_space<vmem>> -> memref<112xi32, #tpu.memory_space<vmem>>
      %dma_wait3A_226 = tpu.memref_slice %arg3[%add3A_4] : memref<25088xi32, #tpu.memory_space<hbm>> -> memref<112xi32, #tpu.memory_space<hbm>>
      tpu.wait_dma2 semaphore(%run_scoped3A_210 : memref<!tpu.dma_semaphore, #tpu.memory_space<semaphore_mem>>) src(%dma_wait3A_226 : memref<112xi32, #tpu.memory_space<hbm>>) dst(%dma_wait3A_225 : memref<112xi32, #tpu.memory_space<vmem>>)
      tpu.yield
    }) : () -> ()
    %add3A_5 = arith.constant 112 : i32
    %add3A_6 = arith.addi %mul3A_2, %add3A_5 : i32
    %run_scoped3A_7 = arith.constant 1 : i32
    "tpu.region"() ({
      %run_scoped3A_210 = tpu.sem_alloc : memref<!tpu.dma_semaphore, #tpu.memory_space<semaphore_mem>>
      %dma_start3A_211 = arith.constant 0 : i32
      %dma_start3A_212 = tpu.memref_slice %arg5[%run_scoped3A_7, %dma_start3A_211] : memref<7x112xi32, #tpu.memory_space<vmem>> -> memref<1x112xi32, #tpu.memory_space<vmem>>
      %dma_start3A_213 = tpu.memref_squeeze %dma_start3A_212 : memref<1x112xi32, #tpu.memory_space<vmem>> -> memref<112xi32, #tpu.memory_space<vmem>>
      %dma_start3A_214 = tpu.memref_slice %arg3[%add3A_6] : memref<25088xi32, #tpu.memory_space<hbm>> -> memref<112xi32, #tpu.memory_space<hbm>>
      %dma_start3A_215 = arith.constant 0 : i32
      %dma_start3A_216 = tpu.memref_slice %arg5[%run_scoped3A_7, %dma_start3A_215] : memref<7x112xi32, #tpu.memory_space<vmem>> -> memref<1x112xi32, #tpu.memory_space<vmem>>
      %dma_start3A_217 = tpu.memref_squeeze %dma_start3A_216 : memref<1x112xi32, #tpu.memory_space<vmem>> -> memref<112xi32, #tpu.memory_space<vmem>>
      %dma_start3A_218 = tpu.memref_slice %arg3[%add3A_6] : memref<25088xi32, #tpu.memory_space<hbm>> -> memref<112xi32, #tpu.memory_space<hbm>>
      tpu.enqueue_dma source(%dma_start3A_218 : memref<112xi32, #tpu.memory_space<hbm>>) target(%dma_start3A_217 : memref<112xi32, #tpu.memory_space<vmem>>) target_semaphore(%run_scoped3A_210 : memref<!tpu.dma_semaphore, #tpu.memory_space<semaphore_mem>>)
      %dma_wait3A_219 = arith.constant 0 : i32
      %dma_wait3A_220 = tpu.memref_slice %arg5[%run_scoped3A_7, %dma_wait3A_219] : memref<7x112xi32, #tpu.memory_space<vmem>> -> memref<1x112xi32, #tpu.memory_space<vmem>>
      %dma_wait3A_221 = tpu.memref_squeeze %dma_wait3A_220 : memref<1x112xi32, #tpu.memory_space<vmem>> -> memref<112xi32, #tpu.memory_space<vmem>>
      %dma_wait3A_222 = tpu.memref_slice %arg3[%add3A_6] : memref<25088xi32, #tpu.memory_space<hbm>> -> memref<112xi32, #tpu.memory_space<hbm>>
      %dma_wait3A_223 = arith.constant 0 : i32
      %dma_wait3A_224 = tpu.memref_slice %arg5[%run_scoped3A_7, %dma_wait3A_223] : memref<7x112xi32, #tpu.memory_space<vmem>> -> memref<1x112xi32, #tpu.memory_space<vmem>>
      %dma_wait3A_225 = tpu.memref_squeeze %dma_wait3A_224 : memref<1x112xi32, #tpu.memory_space<vmem>> -> memref<112xi32, #tpu.memory_space<vmem>>
      %dma_wait3A_226 = tpu.memref_slice %arg3[%add3A_6] : memref<25088xi32, #tpu.memory_space<hbm>> -> memref<112xi32, #tpu.memory_space<hbm>>
      tpu.wait_dma2 semaphore(%run_scoped3A_210 : memref<!tpu.dma_semaphore, #tpu.memory_space<semaphore_mem>>) src(%dma_wait3A_226 : memref<112xi32, #tpu.memory_space<hbm>>) dst(%dma_wait3A_225 : memref<112xi32, #tpu.memory_space<vmem>>)
      tpu.yield
    }) : () -> ()
    %add3A_8 = arith.constant 224 : i32
    %add3A_9 = arith.addi %mul3A_2, %add3A_8 : i32
    %run_scoped3A_10 = arith.constant 2 : i32
    "tpu.region"() ({
      %run_scoped3A_210 = tpu.sem_alloc : memref<!tpu.dma_semaphore, #tpu.memory_space<semaphore_mem>>
      %dma_start3A_211 = arith.constant 0 : i32
      %dma_start3A_212 = tpu.memref_slice %arg5[%run_scoped3A_10, %dma_start3A_211] : memref<7x112xi32, #tpu.memory_space<vmem>> -> memref<1x112xi32, #tpu.memory_space<vmem>>
      %dma_start3A_213 = tpu.memref_squeeze %dma_start3A_212 : memref<1x112xi32, #tpu.memory_space<vmem>> -> memref<112xi32, #tpu.memory_space<vmem>>
      %dma_start3A_214 = tpu.memref_slice %arg3[%add3A_9] : memref<25088xi32, #tpu.memory_space<hbm>> -> memref<112xi32, #tpu.memory_space<hbm>>
      %dma_start3A_215 = arith.constant 0 : i32
      %dma_start3A_216 = tpu.memref_slice %arg5[%run_scoped3A_10, %dma_start3A_215] : memref<7x112xi32, #tpu.memory_space<vmem>> -> memref<1x112xi32, #tpu.memory_space<vmem>>
      %dma_start3A_217 = tpu.memref_squeeze %dma_start3A_216 : memref<1x112xi32, #tpu.memory_space<vmem>> -> memref<112xi32, #tpu.memory_space<vmem>>
      %dma_start3A_218 = tpu.memref_slice %arg3[%add3A_9] : memref<25088xi32, #tpu.memory_space<hbm>> -> memref<112xi32, #tpu.memory_space<hbm>>
      tpu.enqueue_dma source(%dma_start3A_218 : memref<112xi32, #tpu.memory_space<hbm>>) target(%dma_start3A_217 : memref<112xi32, #tpu.memory_space<vmem>>) target_semaphore(%run_scoped3A_210 : memref<!tpu.dma_semaphore, #tpu.memory_space<semaphore_mem>>)
      %dma_wait3A_219 = arith.constant 0 : i32
      %dma_wait3A_220 = tpu.memref_slice %arg5[%run_scoped3A_10, %dma_wait3A_219] : memref<7x112xi32, #tpu.memory_space<vmem>> -> memref<1x112xi32, #tpu.memory_space<vmem>>
      %dma_wait3A_221 = tpu.memref_squeeze %dma_wait3A_220 : memref<1x112xi32, #tpu.memory_space<vmem>> -> memref<112xi32, #tpu.memory_space<vmem>>
      %dma_wait3A_222 = tpu.memref_slice %arg3[%add3A_9] : memref<25088xi32, #tpu.memory_space<hbm>> -> memref<112xi32, #tpu.memory_space<hbm>>
      %dma_wait3A_223 = arith.constant 0 : i32
      %dma_wait3A_224 = tpu.memref_slice %arg5[%run_scoped3A_10, %dma_wait3A_223] : memref<7x112xi32, #tpu.memory_space<vmem>> -> memref<1x112xi32, #tpu.memory_space<vmem>>
      %dma_wait3A_225 = tpu.memref_squeeze %dma_wait3A_224 : memref<1x112xi32, #tpu.memory_space<vmem>> -> memref<112xi32, #tpu.memory_space<vmem>>
      %dma_wait3A_226 = tpu.memref_slice %arg3[%add3A_9] : memref<25088xi32, #tpu.memory_space<hbm>> -> memref<112xi32, #tpu.memory_space<hbm>>
      tpu.wait_dma2 semaphore(%run_scoped3A_210 : memref<!tpu.dma_semaphore, #tpu.memory_space<semaphore_mem>>) src(%dma_wait3A_226 : memref<112xi32, #tpu.memory_space<hbm>>) dst(%dma_wait3A_225 : memref<112xi32, #tpu.memory_space<vmem>>)
      tpu.yield
    }) : () -> ()
    %add3A_11 = arith.constant 336 : i32
    %add3A_12 = arith.addi %mul3A_2, %add3A_11 : i32
    %run_scoped3A_13 = arith.constant 3 : i32
    "tpu.region"() ({
      %run_scoped3A_210 = tpu.sem_alloc : memref<!tpu.dma_semaphore, #tpu.memory_space<semaphore_mem>>
      %dma_start3A_211 = arith.constant 0 : i32
      %dma_start3A_212 = tpu.memref_slice %arg5[%run_scoped3A_13, %dma_start3A_211] : memref<7x112xi32, #tpu.memory_space<vmem>> -> memref<1x112xi32, #tpu.memory_space<vmem>>
      %dma_start3A_213 = tpu.memref_squeeze %dma_start3A_212 : memref<1x112xi32, #tpu.memory_space<vmem>> -> memref<112xi32, #tpu.memory_space<vmem>>
      %dma_start3A_214 = tpu.memref_slice %arg3[%add3A_12] : memref<25088xi32, #tpu.memory_space<hbm>> -> memref<112xi32, #tpu.memory_space<hbm>>
      %dma_start3A_215 = arith.constant 0 : i32
      %dma_start3A_216 = tpu.memref_slice %arg5[%run_scoped3A_13, %dma_start3A_215] : memref<7x112xi32, #tpu.memory_space<vmem>> -> memref<1x112xi32, #tpu.memory_space<vmem>>
      %dma_start3A_217 = tpu.memref_squeeze %dma_start3A_216 : memref<1x112xi32, #tpu.memory_space<vmem>> -> memref<112xi32, #tpu.memory_space<vmem>>
      %dma_start3A_218 = tpu.memref_slice %arg3[%add3A_12] : memref<25088xi32, #tpu.memory_space<hbm>> -> memref<112xi32, #tpu.memory_space<hbm>>
      tpu.enqueue_dma source(%dma_start3A_218 : memref<112xi32, #tpu.memory_space<hbm>>) target(%dma_start3A_217 : memref<112xi32, #tpu.memory_space<vmem>>) target_semaphore(%run_scoped3A_210 : memref<!tpu.dma_semaphore, #tpu.memory_space<semaphore_mem>>)
      %dma_wait3A_219 = arith.constant 0 : i32
      %dma_wait3A_220 = tpu.memref_slice %arg5[%run_scoped3A_13, %dma_wait3A_219] : memref<7x112xi32, #tpu.memory_space<vmem>> -> memref<1x112xi32, #tpu.memory_space<vmem>>
      %dma_wait3A_221 = tpu.memref_squeeze %dma_wait3A_220 : memref<1x112xi32, #tpu.memory_space<vmem>> -> memref<112xi32, #tpu.memory_space<vmem>>
      %dma_wait3A_222 = tpu.memref_slice %arg3[%add3A_12] : memref<25088xi32, #tpu.memory_space<hbm>> -> memref<112xi32, #tpu.memory_space<hbm>>
      %dma_wait3A_223 = arith.constant 0 : i32
      %dma_wait3A_224 = tpu.memref_slice %arg5[%run_scoped3A_13, %dma_wait3A_223] : memref<7x112xi32, #tpu.memory_space<vmem>> -> memref<1x112xi32, #tpu.memory_space<vmem>>
      %dma_wait3A_225 = tpu.memref_squeeze %dma_wait3A_224 : memref<1x112xi32, #tpu.memory_space<vmem>> -> memref<112xi32, #tpu.memory_space<vmem>>
      %dma_wait3A_226 = tpu.memref_slice %arg3[%add3A_12] : memref<25088xi32, #tpu.memory_space<hbm>> -> memref<112xi32, #tpu.memory_space<hbm>>
      tpu.wait_dma2 semaphore(%run_scoped3A_210 : memref<!tpu.dma_semaphore, #tpu.memory_space<semaphore_mem>>) src(%dma_wait3A_226 : memref<112xi32, #tpu.memory_space<hbm>>) dst(%dma_wait3A_225 : memref<112xi32, #tpu.memory_space<vmem>>)
      tpu.yield
    }) : () -> ()
    %add3A_14 = arith.constant 448 : i32
    %add3A_15 = arith.addi %mul3A_2, %add3A_14 : i32
    %run_scoped3A_16 = arith.constant 4 : i32
    "tpu.region"() ({
      %run_scoped3A_210 = tpu.sem_alloc : memref<!tpu.dma_semaphore, #tpu.memory_space<semaphore_mem>>
      %dma_start3A_211 = arith.constant 0 : i32
      %dma_start3A_212 = tpu.memref_slice %arg5[%run_scoped3A_16, %dma_start3A_211] : memref<7x112xi32, #tpu.memory_space<vmem>> -> memref<1x112xi32, #tpu.memory_space<vmem>>
      %dma_start3A_213 = tpu.memref_squeeze %dma_start3A_212 : memref<1x112xi32, #tpu.memory_space<vmem>> -> memref<112xi32, #tpu.memory_space<vmem>>
      %dma_start3A_214 = tpu.memref_slice %arg3[%add3A_15] : memref<25088xi32, #tpu.memory_space<hbm>> -> memref<112xi32, #tpu.memory_space<hbm>>
      %dma_start3A_215 = arith.constant 0 : i32
      %dma_start3A_216 = tpu.memref_slice %arg5[%run_scoped3A_16, %dma_start3A_215] : memref<7x112xi32, #tpu.memory_space<vmem>> -> memref<1x112xi32, #tpu.memory_space<vmem>>
      %dma_start3A_217 = tpu.memref_squeeze %dma_start3A_216 : memref<1x112xi32, #tpu.memory_space<vmem>> -> memref<112xi32, #tpu.memory_space<vmem>>
      %dma_start3A_218 = tpu.memref_slice %arg3[%add3A_15] : memref<25088xi32, #tpu.memory_space<hbm>> -> memref<112xi32, #tpu.memory_space<hbm>>
      tpu.enqueue_dma source(%dma_start3A_218 : memref<112xi32, #tpu.memory_space<hbm>>) target(%dma_start3A_217 : memref<112xi32, #tpu.memory_space<vmem>>) target_semaphore(%run_scoped3A_210 : memref<!tpu.dma_semaphore, #tpu.memory_space<semaphore_mem>>)
      %dma_wait3A_219 = arith.constant 0 : i32
      %dma_wait3A_220 = tpu.memref_slice %arg5[%run_scoped3A_16, %dma_wait3A_219] : memref<7x112xi32, #tpu.memory_space<vmem>> -> memref<1x112xi32, #tpu.memory_space<vmem>>
      %dma_wait3A_221 = tpu.memref_squeeze %dma_wait3A_220 : memref<1x112xi32, #tpu.memory_space<vmem>> -> memref<112xi32, #tpu.memory_space<vmem>>
      %dma_wait3A_222 = tpu.memref_slice %arg3[%add3A_15] : memref<25088xi32, #tpu.memory_space<hbm>> -> memref<112xi32, #tpu.memory_space<hbm>>
      %dma_wait3A_223 = arith.constant 0 : i32
      %dma_wait3A_224 = tpu.memref_slice %arg5[%run_scoped3A_16, %dma_wait3A_223] : memref<7x112xi32, #tpu.memory_space<vmem>> -> memref<1x112xi32, #tpu.memory_space<vmem>>
      %dma_wait3A_225 = tpu.memref_squeeze %dma_wait3A_224 : memref<1x112xi32, #tpu.memory_space<vmem>> -> memref<112xi32, #tpu.memory_space<vmem>>
      %dma_wait3A_226 = tpu.memref_slice %arg3[%add3A_15] : memref<25088xi32, #tpu.memory_space<hbm>> -> memref<112xi32, #tpu.memory_space<hbm>>
      tpu.wait_dma2 semaphore(%run_scoped3A_210 : memref<!tpu.dma_semaphore, #tpu.memory_space<semaphore_mem>>) src(%dma_wait3A_226 : memref<112xi32, #tpu.memory_space<hbm>>) dst(%dma_wait3A_225 : memref<112xi32, #tpu.memory_space<vmem>>)
      tpu.yield
    }) : () -> ()
    %add3A_17 = arith.constant 560 : i32
    %add3A_18 = arith.addi %mul3A_2, %add3A_17 : i32
    %run_scoped3A_19 = arith.constant 5 : i32
    "tpu.region"() ({
      %run_scoped3A_210 = tpu.sem_alloc : memref<!tpu.dma_semaphore, #tpu.memory_space<semaphore_mem>>
      %dma_start3A_211 = arith.constant 0 : i32
      %dma_start3A_212 = tpu.memref_slice %arg5[%run_scoped3A_19, %dma_start3A_211] : memref<7x112xi32, #tpu.memory_space<vmem>> -> memref<1x112xi32, #tpu.memory_space<vmem>>
      %dma_start3A_213 = tpu.memref_squeeze %dma_start3A_212 : memref<1x112xi32, #tpu.memory_space<vmem>> -> memref<112xi32, #tpu.memory_space<vmem>>
      %dma_start3A_214 = tpu.memref_slice %arg3[%add3A_18] : memref<25088xi32, #tpu.memory_space<hbm>> -> memref<112xi32, #tpu.memory_space<hbm>>
      %dma_start3A_215 = arith.constant 0 : i32
      %dma_start3A_216 = tpu.memref_slice %arg5[%run_scoped3A_19, %dma_start3A_215] : memref<7x112xi32, #tpu.memory_space<vmem>> -> memref<1x112xi32, #tpu.memory_space<vmem>>
      %dma_start3A_217 = tpu.memref_squeeze %dma_start3A_216 : memref<1x112xi32, #tpu.memory_space<vmem>> -> memref<112xi32, #tpu.memory_space<vmem>>
      %dma_start3A_218 = tpu.memref_slice %arg3[%add3A_18] : memref<25088xi32, #tpu.memory_space<hbm>> -> memref<112xi32, #tpu.memory_space<hbm>>
      tpu.enqueue_dma source(%dma_start3A_218 : memref<112xi32, #tpu.memory_space<hbm>>) target(%dma_start3A_217 : memref<112xi32, #tpu.memory_space<vmem>>) target_semaphore(%run_scoped3A_210 : memref<!tpu.dma_semaphore, #tpu.memory_space<semaphore_mem>>)
      %dma_wait3A_219 = arith.constant 0 : i32
      %dma_wait3A_220 = tpu.memref_slice %arg5[%run_scoped3A_19, %dma_wait3A_219] : memref<7x112xi32, #tpu.memory_space<vmem>> -> memref<1x112xi32, #tpu.memory_space<vmem>>
      %dma_wait3A_221 = tpu.memref_squeeze %dma_wait3A_220 : memref<1x112xi32, #tpu.memory_space<vmem>> -> memref<112xi32, #tpu.memory_space<vmem>>
      %dma_wait3A_222 = tpu.memref_slice %arg3[%add3A_18] : memref<25088xi32, #tpu.memory_space<hbm>> -> memref<112xi32, #tpu.memory_space<hbm>>
      %dma_wait3A_223 = arith.constant 0 : i32
      %dma_wait3A_224 = tpu.memref_slice %arg5[%run_scoped3A_19, %dma_wait3A_223] : memref<7x112xi32, #tpu.memory_space<vmem>> -> memref<1x112xi32, #tpu.memory_space<vmem>>
      %dma_wait3A_225 = tpu.memref_squeeze %dma_wait3A_224 : memref<1x112xi32, #tpu.memory_space<vmem>> -> memref<112xi32, #tpu.memory_space<vmem>>
      %dma_wait3A_226 = tpu.memref_slice %arg3[%add3A_18] : memref<25088xi32, #tpu.memory_space<hbm>> -> memref<112xi32, #tpu.memory_space<hbm>>
      tpu.wait_dma2 semaphore(%run_scoped3A_210 : memref<!tpu.dma_semaphore, #tpu.memory_space<semaphore_mem>>) src(%dma_wait3A_226 : memref<112xi32, #tpu.memory_space<hbm>>) dst(%dma_wait3A_225 : memref<112xi32, #tpu.memory_space<vmem>>)
      tpu.yield
    }) : () -> ()
    %add3A_20 = arith.constant 672 : i32
    %add3A_21 = arith.addi %mul3A_2, %add3A_20 : i32
    %run_scoped3A_22 = arith.constant 6 : i32
    "tpu.region"() ({
      %run_scoped3A_210 = tpu.sem_alloc : memref<!tpu.dma_semaphore, #tpu.memory_space<semaphore_mem>>
      %dma_start3A_211 = arith.constant 0 : i32
      %dma_start3A_212 = tpu.memref_slice %arg5[%run_scoped3A_22, %dma_start3A_211] : memref<7x112xi32, #tpu.memory_space<vmem>> -> memref<1x112xi32, #tpu.memory_space<vmem>>
      %dma_start3A_213 = tpu.memref_squeeze %dma_start3A_212 : memref<1x112xi32, #tpu.memory_space<vmem>> -> memref<112xi32, #tpu.memory_space<vmem>>
      %dma_start3A_214 = tpu.memref_slice %arg3[%add3A_21] : memref<25088xi32, #tpu.memory_space<hbm>> -> memref<112xi32, #tpu.memory_space<hbm>>
      %dma_start3A_215 = arith.constant 0 : i32
      %dma_start3A_216 = tpu.memref_slice %arg5[%run_scoped3A_22, %dma_start3A_215] : memref<7x112xi32, #tpu.memory_space<vmem>> -> memref<1x112xi32, #tpu.memory_space<vmem>>
      %dma_start3A_217 = tpu.memref_squeeze %dma_start3A_216 : memref<1x112xi32, #tpu.memory_space<vmem>> -> memref<112xi32, #tpu.memory_space<vmem>>
      %dma_start3A_218 = tpu.memref_slice %arg3[%add3A_21] : memref<25088xi32, #tpu.memory_space<hbm>> -> memref<112xi32, #tpu.memory_space<hbm>>
      tpu.enqueue_dma source(%dma_start3A_218 : memref<112xi32, #tpu.memory_space<hbm>>) target(%dma_start3A_217 : memref<112xi32, #tpu.memory_space<vmem>>) target_semaphore(%run_scoped3A_210 : memref<!tpu.dma_semaphore, #tpu.memory_space<semaphore_mem>>)
      %dma_wait3A_219 = arith.constant 0 : i32
      %dma_wait3A_220 = tpu.memref_slice %arg5[%run_scoped3A_22, %dma_wait3A_219] : memref<7x112xi32, #tpu.memory_space<vmem>> -> memref<1x112xi32, #tpu.memory_space<vmem>>
      %dma_wait3A_221 = tpu.memref_squeeze %dma_wait3A_220 : memref<1x112xi32, #tpu.memory_space<vmem>> -> memref<112xi32, #tpu.memory_space<vmem>>
      %dma_wait3A_222 = tpu.memref_slice %arg3[%add3A_21] : memref<25088xi32, #tpu.memory_space<hbm>> -> memref<112xi32, #tpu.memory_space<hbm>>
      %dma_wait3A_223 = arith.constant 0 : i32
      %dma_wait3A_224 = tpu.memref_slice %arg5[%run_scoped3A_22, %dma_wait3A_223] : memref<7x112xi32, #tpu.memory_space<vmem>> -> memref<1x112xi32, #tpu.memory_space<vmem>>
      %dma_wait3A_225 = tpu.memref_squeeze %dma_wait3A_224 : memref<1x112xi32, #tpu.memory_space<vmem>> -> memref<112xi32, #tpu.memory_space<vmem>>
      %dma_wait3A_226 = tpu.memref_slice %arg3[%add3A_21] : memref<25088xi32, #tpu.memory_space<hbm>> -> memref<112xi32, #tpu.memory_space<hbm>>
      tpu.wait_dma2 semaphore(%run_scoped3A_210 : memref<!tpu.dma_semaphore, #tpu.memory_space<semaphore_mem>>) src(%dma_wait3A_226 : memref<112xi32, #tpu.memory_space<hbm>>) dst(%dma_wait3A_225 : memref<112xi32, #tpu.memory_space<vmem>>)
      tpu.yield
    }) : () -> ()
    %dma_start3A = arith.constant 0 : i32
    %dma_start3A_23 = arith.constant 0 : i32
    %dma_start3A_24 = arith.constant 0 : i32
    %dma_start3A_25 = arith.constant 0 : i32
    %dma_start3A_26 = tpu.memref_slice %arg6[%dma_start3A_23, %dma_start3A_24, %dma_start3A_25] : memref<7x112x128xf32, #tpu.memory_space<vmem>> -> memref<1x112x128xf32, #tpu.memory_space<vmem>>
    %dma_start3A_27 = tpu.memref_squeeze %dma_start3A_26 : memref<1x112x128xf32, #tpu.memory_space<vmem>> -> memref<112x128xf32, #tpu.memory_space<vmem>>
    %dma_start3A_28 = arith.constant 0 : i32
    %dma_start3A_29 = tpu.memref_slice %arg5[%dma_start3A, %dma_start3A_28] : memref<7x112xi32, #tpu.memory_space<vmem>> -> memref<1x112xi32, #tpu.memory_space<vmem>>
    %dma_start3A_30 = tpu.memref_squeeze %dma_start3A_29 : memref<1x112xi32, #tpu.memory_space<vmem>> -> memref<112xi32, #tpu.memory_space<vmem>>
    %dma_start3A_31 = arith.constant 0 : i32
    %dma_start3A_32 = arith.constant 0 : i32
    %dma_start3A_33 = tpu.memref_slice %arg2[%dma_start3A_31, %dma_start3A_32] : memref<1024x128xf32, #tpu.memory_space<hbm>> -> memref<1024x128xf32, #tpu.memory_space<hbm>>
    tpu.enqueue_indirect_dma source(%dma_start3A_33 : memref<1024x128xf32, #tpu.memory_space<hbm>>) target(%dma_start3A_27 : memref<112x128xf32, #tpu.memory_space<vmem>>) offsets(%dma_start3A_30 : memref<112xi32, #tpu.memory_space<vmem>>) semaphore(%arg7 : memref<!tpu.dma_semaphore, #tpu.memory_space<semaphore_mem>>)
    %dma_start3A_34 = arith.constant 1 : i32
    %dma_start3A_35 = arith.constant 1 : i32
    %dma_start3A_36 = arith.constant 0 : i32
    %dma_start3A_37 = arith.constant 0 : i32
    %dma_start3A_38 = tpu.memref_slice %arg6[%dma_start3A_35, %dma_start3A_36, %dma_start3A_37] : memref<7x112x128xf32, #tpu.memory_space<vmem>> -> memref<1x112x128xf32, #tpu.memory_space<vmem>>
    %dma_start3A_39 = tpu.memref_squeeze %dma_start3A_38 : memref<1x112x128xf32, #tpu.memory_space<vmem>> -> memref<112x128xf32, #tpu.memory_space<vmem>>
    %dma_start3A_40 = arith.constant 0 : i32
    %dma_start3A_41 = tpu.memref_slice %arg5[%dma_start3A_34, %dma_start3A_40] : memref<7x112xi32, #tpu.memory_space<vmem>> -> memref<1x112xi32, #tpu.memory_space<vmem>>
    %dma_start3A_42 = tpu.memref_squeeze %dma_start3A_41 : memref<1x112xi32, #tpu.memory_space<vmem>> -> memref<112xi32, #tpu.memory_space<vmem>>
    %dma_start3A_43 = arith.constant 0 : i32
    %dma_start3A_44 = arith.constant 0 : i32
    %dma_start3A_45 = tpu.memref_slice %arg2[%dma_start3A_43, %dma_start3A_44] : memref<1024x128xf32, #tpu.memory_space<hbm>> -> memref<1024x128xf32, #tpu.memory_space<hbm>>
    tpu.enqueue_indirect_dma source(%dma_start3A_45 : memref<1024x128xf32, #tpu.memory_space<hbm>>) target(%dma_start3A_39 : memref<112x128xf32, #tpu.memory_space<vmem>>) offsets(%dma_start3A_42 : memref<112xi32, #tpu.memory_space<vmem>>) semaphore(%arg7 : memref<!tpu.dma_semaphore, #tpu.memory_space<semaphore_mem>>)
    %dma_start3A_46 = arith.constant 2 : i32
    %dma_start3A_47 = arith.constant 2 : i32
    %dma_start3A_48 = arith.constant 0 : i32
    %dma_start3A_49 = arith.constant 0 : i32
    %dma_start3A_50 = tpu.memref_slice %arg6[%dma_start3A_47, %dma_start3A_48, %dma_start3A_49] : memref<7x112x128xf32, #tpu.memory_space<vmem>> -> memref<1x112x128xf32, #tpu.memory_space<vmem>>
    %dma_start3A_51 = tpu.memref_squeeze %dma_start3A_50 : memref<1x112x128xf32, #tpu.memory_space<vmem>> -> memref<112x128xf32, #tpu.memory_space<vmem>>
    %dma_start3A_52 = arith.constant 0 : i32
    %dma_start3A_53 = tpu.memref_slice %arg5[%dma_start3A_46, %dma_start3A_52] : memref<7x112xi32, #tpu.memory_space<vmem>> -> memref<1x112xi32, #tpu.memory_space<vmem>>
    %dma_start3A_54 = tpu.memref_squeeze %dma_start3A_53 : memref<1x112xi32, #tpu.memory_space<vmem>> -> memref<112xi32, #tpu.memory_space<vmem>>
    %dma_start3A_55 = arith.constant 0 : i32
    %dma_start3A_56 = arith.constant 0 : i32
    %dma_start3A_57 = tpu.memref_slice %arg2[%dma_start3A_55, %dma_start3A_56] : memref<1024x128xf32, #tpu.memory_space<hbm>> -> memref<1024x128xf32, #tpu.memory_space<hbm>>
    tpu.enqueue_indirect_dma source(%dma_start3A_57 : memref<1024x128xf32, #tpu.memory_space<hbm>>) target(%dma_start3A_51 : memref<112x128xf32, #tpu.memory_space<vmem>>) offsets(%dma_start3A_54 : memref<112xi32, #tpu.memory_space<vmem>>) semaphore(%arg7 : memref<!tpu.dma_semaphore, #tpu.memory_space<semaphore_mem>>)
    %dma_start3A_58 = arith.constant 3 : i32
    %dma_start3A_59 = arith.constant 3 : i32
    %dma_start3A_60 = arith.constant 0 : i32
    %dma_start3A_61 = arith.constant 0 : i32
    %dma_start3A_62 = tpu.memref_slice %arg6[%dma_start3A_59, %dma_start3A_60, %dma_start3A_61] : memref<7x112x128xf32, #tpu.memory_space<vmem>> -> memref<1x112x128xf32, #tpu.memory_space<vmem>>
    %dma_start3A_63 = tpu.memref_squeeze %dma_start3A_62 : memref<1x112x128xf32, #tpu.memory_space<vmem>> -> memref<112x128xf32, #tpu.memory_space<vmem>>
    %dma_start3A_64 = arith.constant 0 : i32
    %dma_start3A_65 = tpu.memref_slice %arg5[%dma_start3A_58, %dma_start3A_64] : memref<7x112xi32, #tpu.memory_space<vmem>> -> memref<1x112xi32, #tpu.memory_space<vmem>>
    %dma_start3A_66 = tpu.memref_squeeze %dma_start3A_65 : memref<1x112xi32, #tpu.memory_space<vmem>> -> memref<112xi32, #tpu.memory_space<vmem>>
    %dma_start3A_67 = arith.constant 0 : i32
    %dma_start3A_68 = arith.constant 0 : i32
    %dma_start3A_69 = tpu.memref_slice %arg2[%dma_start3A_67, %dma_start3A_68] : memref<1024x128xf32, #tpu.memory_space<hbm>> -> memref<1024x128xf32, #tpu.memory_space<hbm>>
    tpu.enqueue_indirect_dma source(%dma_start3A_69 : memref<1024x128xf32, #tpu.memory_space<hbm>>) target(%dma_start3A_63 : memref<112x128xf32, #tpu.memory_space<vmem>>) offsets(%dma_start3A_66 : memref<112xi32, #tpu.memory_space<vmem>>) semaphore(%arg7 : memref<!tpu.dma_semaphore, #tpu.memory_space<semaphore_mem>>)
    %dma_start3A_70 = arith.constant 4 : i32
    %dma_start3A_71 = arith.constant 4 : i32
    %dma_start3A_72 = arith.constant 0 : i32
    %dma_start3A_73 = arith.constant 0 : i32
    %dma_start3A_74 = tpu.memref_slice %arg6[%dma_start3A_71, %dma_start3A_72, %dma_start3A_73] : memref<7x112x128xf32, #tpu.memory_space<vmem>> -> memref<1x112x128xf32, #tpu.memory_space<vmem>>
    %dma_start3A_75 = tpu.memref_squeeze %dma_start3A_74 : memref<1x112x128xf32, #tpu.memory_space<vmem>> -> memref<112x128xf32, #tpu.memory_space<vmem>>
    %dma_start3A_76 = arith.constant 0 : i32
    %dma_start3A_77 = tpu.memref_slice %arg5[%dma_start3A_70, %dma_start3A_76] : memref<7x112xi32, #tpu.memory_space<vmem>> -> memref<1x112xi32, #tpu.memory_space<vmem>>
    %dma_start3A_78 = tpu.memref_squeeze %dma_start3A_77 : memref<1x112xi32, #tpu.memory_space<vmem>> -> memref<112xi32, #tpu.memory_space<vmem>>
    %dma_start3A_79 = arith.constant 0 : i32
    %dma_start3A_80 = arith.constant 0 : i32
    %dma_start3A_81 = tpu.memref_slice %arg2[%dma_start3A_79, %dma_start3A_80] : memref<1024x128xf32, #tpu.memory_space<hbm>> -> memref<1024x128xf32, #tpu.memory_space<hbm>>
    tpu.enqueue_indirect_dma source(%dma_start3A_81 : memref<1024x128xf32, #tpu.memory_space<hbm>>) target(%dma_start3A_75 : memref<112x128xf32, #tpu.memory_space<vmem>>) offsets(%dma_start3A_78 : memref<112xi32, #tpu.memory_space<vmem>>) semaphore(%arg7 : memref<!tpu.dma_semaphore, #tpu.memory_space<semaphore_mem>>)
    %dma_start3A_82 = arith.constant 5 : i32
    %dma_start3A_83 = arith.constant 5 : i32
    %dma_start3A_84 = arith.constant 0 : i32
    %dma_start3A_85 = arith.constant 0 : i32
    %dma_start3A_86 = tpu.memref_slice %arg6[%dma_start3A_83, %dma_start3A_84, %dma_start3A_85] : memref<7x112x128xf32, #tpu.memory_space<vmem>> -> memref<1x112x128xf32, #tpu.memory_space<vmem>>
    %dma_start3A_87 = tpu.memref_squeeze %dma_start3A_86 : memref<1x112x128xf32, #tpu.memory_space<vmem>> -> memref<112x128xf32, #tpu.memory_space<vmem>>
    %dma_start3A_88 = arith.constant 0 : i32
    %dma_start3A_89 = tpu.memref_slice %arg5[%dma_start3A_82, %dma_start3A_88] : memref<7x112xi32, #tpu.memory_space<vmem>> -> memref<1x112xi32, #tpu.memory_space<vmem>>
    %dma_start3A_90 = tpu.memref_squeeze %dma_start3A_89 : memref<1x112xi32, #tpu.memory_space<vmem>> -> memref<112xi32, #tpu.memory_space<vmem>>
    %dma_start3A_91 = arith.constant 0 : i32
    %dma_start3A_92 = arith.constant 0 : i32
    %dma_start3A_93 = tpu.memref_slice %arg2[%dma_start3A_91, %dma_start3A_92] : memref<1024x128xf32, #tpu.memory_space<hbm>> -> memref<1024x128xf32, #tpu.memory_space<hbm>>
    tpu.enqueue_indirect_dma source(%dma_start3A_93 : memref<1024x128xf32, #tpu.memory_space<hbm>>) target(%dma_start3A_87 : memref<112x128xf32, #tpu.memory_space<vmem>>) offsets(%dma_start3A_90 : memref<112xi32, #tpu.memory_space<vmem>>) semaphore(%arg7 : memref<!tpu.dma_semaphore, #tpu.memory_space<semaphore_mem>>)
    %dma_start3A_94 = arith.constant 6 : i32
    %dma_start3A_95 = arith.constant 6 : i32
    %dma_start3A_96 = arith.constant 0 : i32
    %dma_start3A_97 = arith.constant 0 : i32
    %dma_start3A_98 = tpu.memref_slice %arg6[%dma_start3A_95, %dma_start3A_96, %dma_start3A_97] : memref<7x112x128xf32, #tpu.memory_space<vmem>> -> memref<1x112x128xf32, #tpu.memory_space<vmem>>
    %dma_start3A_99 = tpu.memref_squeeze %dma_start3A_98 : memref<1x112x128xf32, #tpu.memory_space<vmem>> -> memref<112x128xf32, #tpu.memory_space<vmem>>
    %dma_start3A_100 = arith.constant 0 : i32
    %dma_start3A_101 = tpu.memref_slice %arg5[%dma_start3A_94, %dma_start3A_100] : memref<7x112xi32, #tpu.memory_space<vmem>> -> memref<1x112xi32, #tpu.memory_space<vmem>>
    %dma_start3A_102 = tpu.memref_squeeze %dma_start3A_101 : memref<1x112xi32, #tpu.memory_space<vmem>> -> memref<112xi32, #tpu.memory_space<vmem>>
    %dma_start3A_103 = arith.constant 0 : i32
    %dma_start3A_104 = arith.constant 0 : i32
    %dma_start3A_105 = tpu.memref_slice %arg2[%dma_start3A_103, %dma_start3A_104] : memref<1024x128xf32, #tpu.memory_space<hbm>> -> memref<1024x128xf32, #tpu.memory_space<hbm>>
    tpu.enqueue_indirect_dma source(%dma_start3A_105 : memref<1024x128xf32, #tpu.memory_space<hbm>>) target(%dma_start3A_99 : memref<112x128xf32, #tpu.memory_space<vmem>>) offsets(%dma_start3A_102 : memref<112xi32, #tpu.memory_space<vmem>>) semaphore(%arg7 : memref<!tpu.dma_semaphore, #tpu.memory_space<semaphore_mem>>)
    %dma_wait3A = arith.constant 0 : i32
    %dma_wait3A_106 = arith.constant 0 : i32
    %dma_wait3A_107 = arith.constant 0 : i32
    %dma_wait3A_108 = arith.constant 0 : i32
    %dma_wait3A_109 = tpu.memref_slice %arg6[%dma_wait3A_106, %dma_wait3A_107, %dma_wait3A_108] : memref<7x112x128xf32, #tpu.memory_space<vmem>> -> memref<1x112x128xf32, #tpu.memory_space<vmem>>
    %dma_wait3A_110 = tpu.memref_squeeze %dma_wait3A_109 : memref<1x112x128xf32, #tpu.memory_space<vmem>> -> memref<112x128xf32, #tpu.memory_space<vmem>>
    %dma_wait3A_111 = arith.constant 0 : i32
    %dma_wait3A_112 = tpu.memref_slice %arg5[%dma_wait3A, %dma_wait3A_111] : memref<7x112xi32, #tpu.memory_space<vmem>> -> memref<1x112xi32, #tpu.memory_space<vmem>>
    %dma_wait3A_113 = tpu.memref_squeeze %dma_wait3A_112 : memref<1x112xi32, #tpu.memory_space<vmem>> -> memref<112xi32, #tpu.memory_space<vmem>>
    %dma_wait3A_114 = arith.constant 0 : i32
    %dma_wait3A_115 = arith.constant 0 : i32
    %dma_wait3A_116 = tpu.memref_slice %arg2[%dma_wait3A_114, %dma_wait3A_115] : memref<1024x128xf32, #tpu.memory_space<hbm>> -> memref<1024x128xf32, #tpu.memory_space<hbm>>
    tpu.wait_indirect_dma semaphore(%arg7 : memref<!tpu.dma_semaphore, #tpu.memory_space<semaphore_mem>>) src(%dma_wait3A_116 : memref<1024x128xf32, #tpu.memory_space<hbm>>) dst(%dma_wait3A_110 : memref<112x128xf32, #tpu.memory_space<vmem>>)
    %dma_wait3A_117 = arith.constant 1 : i32
    %dma_wait3A_118 = arith.constant 1 : i32
    %dma_wait3A_119 = arith.constant 0 : i32
    %dma_wait3A_120 = arith.constant 0 : i32
    %dma_wait3A_121 = tpu.memref_slice %arg6[%dma_wait3A_118, %dma_wait3A_119, %dma_wait3A_120] : memref<7x112x128xf32, #tpu.memory_space<vmem>> -> memref<1x112x128xf32, #tpu.memory_space<vmem>>
    %dma_wait3A_122 = tpu.memref_squeeze %dma_wait3A_121 : memref<1x112x128xf32, #tpu.memory_space<vmem>> -> memref<112x128xf32, #tpu.memory_space<vmem>>
    %dma_wait3A_123 = arith.constant 0 : i32
    %dma_wait3A_124 = tpu.memref_slice %arg5[%dma_wait3A_117, %dma_wait3A_123] : memref<7x112xi32, #tpu.memory_space<vmem>> -> memref<1x112xi32, #tpu.memory_space<vmem>>
    %dma_wait3A_125 = tpu.memref_squeeze %dma_wait3A_124 : memref<1x112xi32, #tpu.memory_space<vmem>> -> memref<112xi32, #tpu.memory_space<vmem>>
    %dma_wait3A_126 = arith.constant 0 : i32
    %dma_wait3A_127 = arith.constant 0 : i32
    %dma_wait3A_128 = tpu.memref_slice %arg2[%dma_wait3A_126, %dma_wait3A_127] : memref<1024x128xf32, #tpu.memory_space<hbm>> -> memref<1024x128xf32, #tpu.memory_space<hbm>>
    tpu.wait_indirect_dma semaphore(%arg7 : memref<!tpu.dma_semaphore, #tpu.memory_space<semaphore_mem>>) src(%dma_wait3A_128 : memref<1024x128xf32, #tpu.memory_space<hbm>>) dst(%dma_wait3A_122 : memref<112x128xf32, #tpu.memory_space<vmem>>)
    %dma_wait3A_129 = arith.constant 2 : i32
    %dma_wait3A_130 = arith.constant 2 : i32
    %dma_wait3A_131 = arith.constant 0 : i32
    %dma_wait3A_132 = arith.constant 0 : i32
    %dma_wait3A_133 = tpu.memref_slice %arg6[%dma_wait3A_130, %dma_wait3A_131, %dma_wait3A_132] : memref<7x112x128xf32, #tpu.memory_space<vmem>> -> memref<1x112x128xf32, #tpu.memory_space<vmem>>
    %dma_wait3A_134 = tpu.memref_squeeze %dma_wait3A_133 : memref<1x112x128xf32, #tpu.memory_space<vmem>> -> memref<112x128xf32, #tpu.memory_space<vmem>>
    %dma_wait3A_135 = arith.constant 0 : i32
    %dma_wait3A_136 = tpu.memref_slice %arg5[%dma_wait3A_129, %dma_wait3A_135] : memref<7x112xi32, #tpu.memory_space<vmem>> -> memref<1x112xi32, #tpu.memory_space<vmem>>
    %dma_wait3A_137 = tpu.memref_squeeze %dma_wait3A_136 : memref<1x112xi32, #tpu.memory_space<vmem>> -> memref<112xi32, #tpu.memory_space<vmem>>
    %dma_wait3A_138 = arith.constant 0 : i32
    %dma_wait3A_139 = arith.constant 0 : i32
    %dma_wait3A_140 = tpu.memref_slice %arg2[%dma_wait3A_138, %dma_wait3A_139] : memref<1024x128xf32, #tpu.memory_space<hbm>> -> memref<1024x128xf32, #tpu.memory_space<hbm>>
    tpu.wait_indirect_dma semaphore(%arg7 : memref<!tpu.dma_semaphore, #tpu.memory_space<semaphore_mem>>) src(%dma_wait3A_140 : memref<1024x128xf32, #tpu.memory_space<hbm>>) dst(%dma_wait3A_134 : memref<112x128xf32, #tpu.memory_space<vmem>>)
    %dma_wait3A_141 = arith.constant 3 : i32
    %dma_wait3A_142 = arith.constant 3 : i32
    %dma_wait3A_143 = arith.constant 0 : i32
    %dma_wait3A_144 = arith.constant 0 : i32
    %dma_wait3A_145 = tpu.memref_slice %arg6[%dma_wait3A_142, %dma_wait3A_143, %dma_wait3A_144] : memref<7x112x128xf32, #tpu.memory_space<vmem>> -> memref<1x112x128xf32, #tpu.memory_space<vmem>>
    %dma_wait3A_146 = tpu.memref_squeeze %dma_wait3A_145 : memref<1x112x128xf32, #tpu.memory_space<vmem>> -> memref<112x128xf32, #tpu.memory_space<vmem>>
    %dma_wait3A_147 = arith.constant 0 : i32
    %dma_wait3A_148 = tpu.memref_slice %arg5[%dma_wait3A_141, %dma_wait3A_147] : memref<7x112xi32, #tpu.memory_space<vmem>> -> memref<1x112xi32, #tpu.memory_space<vmem>>
    %dma_wait3A_149 = tpu.memref_squeeze %dma_wait3A_148 : memref<1x112xi32, #tpu.memory_space<vmem>> -> memref<112xi32, #tpu.memory_space<vmem>>
    %dma_wait3A_150 = arith.constant 0 : i32
    %dma_wait3A_151 = arith.constant 0 : i32
    %dma_wait3A_152 = tpu.memref_slice %arg2[%dma_wait3A_150, %dma_wait3A_151] : memref<1024x128xf32, #tpu.memory_space<hbm>> -> memref<1024x128xf32, #tpu.memory_space<hbm>>
    tpu.wait_indirect_dma semaphore(%arg7 : memref<!tpu.dma_semaphore, #tpu.memory_space<semaphore_mem>>) src(%dma_wait3A_152 : memref<1024x128xf32, #tpu.memory_space<hbm>>) dst(%dma_wait3A_146 : memref<112x128xf32, #tpu.memory_space<vmem>>)
    %dma_wait3A_153 = arith.constant 4 : i32
    %dma_wait3A_154 = arith.constant 4 : i32
    %dma_wait3A_155 = arith.constant 0 : i32
    %dma_wait3A_156 = arith.constant 0 : i32
    %dma_wait3A_157 = tpu.memref_slice %arg6[%dma_wait3A_154, %dma_wait3A_155, %dma_wait3A_156] : memref<7x112x128xf32, #tpu.memory_space<vmem>> -> memref<1x112x128xf32, #tpu.memory_space<vmem>>
    %dma_wait3A_158 = tpu.memref_squeeze %dma_wait3A_157 : memref<1x112x128xf32, #tpu.memory_space<vmem>> -> memref<112x128xf32, #tpu.memory_space<vmem>>
    %dma_wait3A_159 = arith.constant 0 : i32
    %dma_wait3A_160 = tpu.memref_slice %arg5[%dma_wait3A_153, %dma_wait3A_159] : memref<7x112xi32, #tpu.memory_space<vmem>> -> memref<1x112xi32, #tpu.memory_space<vmem>>
    %dma_wait3A_161 = tpu.memref_squeeze %dma_wait3A_160 : memref<1x112xi32, #tpu.memory_space<vmem>> -> memref<112xi32, #tpu.memory_space<vmem>>
    %dma_wait3A_162 = arith.constant 0 : i32
    %dma_wait3A_163 = arith.constant 0 : i32
    %dma_wait3A_164 = tpu.memref_slice %arg2[%dma_wait3A_162, %dma_wait3A_163] : memref<1024x128xf32, #tpu.memory_space<hbm>> -> memref<1024x128xf32, #tpu.memory_space<hbm>>
    tpu.wait_indirect_dma semaphore(%arg7 : memref<!tpu.dma_semaphore, #tpu.memory_space<semaphore_mem>>) src(%dma_wait3A_164 : memref<1024x128xf32, #tpu.memory_space<hbm>>) dst(%dma_wait3A_158 : memref<112x128xf32, #tpu.memory_space<vmem>>)
    %dma_wait3A_165 = arith.constant 5 : i32
    %dma_wait3A_166 = arith.constant 5 : i32
    %dma_wait3A_167 = arith.constant 0 : i32
    %dma_wait3A_168 = arith.constant 0 : i32
    %dma_wait3A_169 = tpu.memref_slice %arg6[%dma_wait3A_166, %dma_wait3A_167, %dma_wait3A_168] : memref<7x112x128xf32, #tpu.memory_space<vmem>> -> memref<1x112x128xf32, #tpu.memory_space<vmem>>
    %dma_wait3A_170 = tpu.memref_squeeze %dma_wait3A_169 : memref<1x112x128xf32, #tpu.memory_space<vmem>> -> memref<112x128xf32, #tpu.memory_space<vmem>>
    %dma_wait3A_171 = arith.constant 0 : i32
    %dma_wait3A_172 = tpu.memref_slice %arg5[%dma_wait3A_165, %dma_wait3A_171] : memref<7x112xi32, #tpu.memory_space<vmem>> -> memref<1x112xi32, #tpu.memory_space<vmem>>
    %dma_wait3A_173 = tpu.memref_squeeze %dma_wait3A_172 : memref<1x112xi32, #tpu.memory_space<vmem>> -> memref<112xi32, #tpu.memory_space<vmem>>
    %dma_wait3A_174 = arith.constant 0 : i32
    %dma_wait3A_175 = arith.constant 0 : i32
    %dma_wait3A_176 = tpu.memref_slice %arg2[%dma_wait3A_174, %dma_wait3A_175] : memref<1024x128xf32, #tpu.memory_space<hbm>> -> memref<1024x128xf32, #tpu.memory_space<hbm>>
    tpu.wait_indirect_dma semaphore(%arg7 : memref<!tpu.dma_semaphore, #tpu.memory_space<semaphore_mem>>) src(%dma_wait3A_176 : memref<1024x128xf32, #tpu.memory_space<hbm>>) dst(%dma_wait3A_170 : memref<112x128xf32, #tpu.memory_space<vmem>>)
    %dma_wait3A_177 = arith.constant 6 : i32
    %dma_wait3A_178 = arith.constant 6 : i32
    %dma_wait3A_179 = arith.constant 0 : i32
    %dma_wait3A_180 = arith.constant 0 : i32
    %dma_wait3A_181 = tpu.memref_slice %arg6[%dma_wait3A_178, %dma_wait3A_179, %dma_wait3A_180] : memref<7x112x128xf32, #tpu.memory_space<vmem>> -> memref<1x112x128xf32, #tpu.memory_space<vmem>>
    %dma_wait3A_182 = tpu.memref_squeeze %dma_wait3A_181 : memref<1x112x128xf32, #tpu.memory_space<vmem>> -> memref<112x128xf32, #tpu.memory_space<vmem>>
    %dma_wait3A_183 = arith.constant 0 : i32
    %dma_wait3A_184 = tpu.memref_slice %arg5[%dma_wait3A_177, %dma_wait3A_183] : memref<7x112xi32, #tpu.memory_space<vmem>> -> memref<1x112xi32, #tpu.memory_space<vmem>>
    %dma_wait3A_185 = tpu.memref_squeeze %dma_wait3A_184 : memref<1x112xi32, #tpu.memory_space<vmem>> -> memref<112xi32, #tpu.memory_space<vmem>>
    %dma_wait3A_186 = arith.constant 0 : i32
    %dma_wait3A_187 = arith.constant 0 : i32
    %dma_wait3A_188 = tpu.memref_slice %arg2[%dma_wait3A_186, %dma_wait3A_187] : memref<1024x128xf32, #tpu.memory_space<hbm>> -> memref<1024x128xf32, #tpu.memory_space<hbm>>
    tpu.wait_indirect_dma semaphore(%arg7 : memref<!tpu.dma_semaphore, #tpu.memory_space<semaphore_mem>>) src(%dma_wait3A_188 : memref<1024x128xf32, #tpu.memory_space<hbm>>) dst(%dma_wait3A_182 : memref<112x128xf32, #tpu.memory_space<vmem>>)
    %add3A_189 = arith.constant 0 : i32
    %add3A_190 = arith.addi %mul3A_2, %add3A_189 : i32
    %run_scoped3A_191 = arith.constant 0 : i32
    "tpu.region"() ({
      %run_scoped3A_210 = tpu.sem_alloc : memref<!tpu.dma_semaphore, #tpu.memory_space<semaphore_mem>>
      %dma_start3A_211 = arith.constant 0 : i32
      %dma_start3A_212 = arith.constant 0 : i32
      %dma_start3A_213 = tpu.memref_slice %arg6[%run_scoped3A_191, %dma_start3A_211, %dma_start3A_212] : memref<7x112x128xf32, #tpu.memory_space<vmem>> -> memref<1x112x128xf32, #tpu.memory_space<vmem>>
      %dma_start3A_214 = tpu.memref_squeeze %dma_start3A_213 : memref<1x112x128xf32, #tpu.memory_space<vmem>> -> memref<112x128xf32, #tpu.memory_space<vmem>>
      %dma_start3A_215 = arith.constant 0 : i32
      %dma_start3A_216 = tpu.memref_slice %arg4[%add3A_190, %dma_start3A_215] : memref<25088x128xf32, #tpu.memory_space<hbm>> -> memref<112x128xf32, #tpu.memory_space<hbm>>
      %dma_start3A_217 = arith.constant 0 : i32
      %dma_start3A_218 = tpu.memref_slice %arg4[%add3A_190, %dma_start3A_217] : memref<25088x128xf32, #tpu.memory_space<hbm>> -> memref<112x128xf32, #tpu.memory_space<hbm>>
      %dma_start3A_219 = arith.constant 0 : i32
      %dma_start3A_220 = arith.constant 0 : i32
      %dma_start3A_221 = tpu.memref_slice %arg6[%run_scoped3A_191, %dma_start3A_219, %dma_start3A_220] : memref<7x112x128xf32, #tpu.memory_space<vmem>> -> memref<1x112x128xf32, #tpu.memory_space<vmem>>
      %dma_start3A_222 = tpu.memref_squeeze %dma_start3A_221 : memref<1x112x128xf32, #tpu.memory_space<vmem>> -> memref<112x128xf32, #tpu.memory_space<vmem>>
      tpu.enqueue_dma source(%dma_start3A_222 : memref<112x128xf32, #tpu.memory_space<vmem>>) target(%dma_start3A_218 : memref<112x128xf32, #tpu.memory_space<hbm>>) target_semaphore(%run_scoped3A_210 : memref<!tpu.dma_semaphore, #tpu.memory_space<semaphore_mem>>)
      %dma_wait3A_223 = arith.constant 0 : i32
      %dma_wait3A_224 = arith.constant 0 : i32
      %dma_wait3A_225 = tpu.memref_slice %arg6[%run_scoped3A_191, %dma_wait3A_223, %dma_wait3A_224] : memref<7x112x128xf32, #tpu.memory_space<vmem>> -> memref<1x112x128xf32, #tpu.memory_space<vmem>>
      %dma_wait3A_226 = tpu.memref_squeeze %dma_wait3A_225 : memref<1x112x128xf32, #tpu.memory_space<vmem>> -> memref<112x128xf32, #tpu.memory_space<vmem>>
      %dma_wait3A_227 = arith.constant 0 : i32
      %dma_wait3A_228 = tpu.memref_slice %arg4[%add3A_190, %dma_wait3A_227] : memref<25088x128xf32, #tpu.memory_space<hbm>> -> memref<112x128xf32, #tpu.memory_space<hbm>>
      %dma_wait3A_229 = arith.constant 0 : i32
      %dma_wait3A_230 = tpu.memref_slice %arg4[%add3A_190, %dma_wait3A_229] : memref<25088x128xf32, #tpu.memory_space<hbm>> -> memref<112x128xf32, #tpu.memory_space<hbm>>
      %dma_wait3A_231 = arith.constant 0 : i32
      %dma_wait3A_232 = arith.constant 0 : i32
      %dma_wait3A_233 = tpu.memref_slice %arg6[%run_scoped3A_191, %dma_wait3A_231, %dma_wait3A_232] : memref<7x112x128xf32, #tpu.memory_space<vmem>> -> memref<1x112x128xf32, #tpu.memory_space<vmem>>
      %dma_wait3A_234 = tpu.memref_squeeze %dma_wait3A_233 : memref<1x112x128xf32, #tpu.memory_space<vmem>> -> memref<112x128xf32, #tpu.memory_space<vmem>>
      tpu.wait_dma2 semaphore(%run_scoped3A_210 : memref<!tpu.dma_semaphore, #tpu.memory_space<semaphore_mem>>) src(%dma_wait3A_234 : memref<112x128xf32, #tpu.memory_space<vmem>>) dst(%dma_wait3A_230 : memref<112x128xf32, #tpu.memory_space<hbm>>)
      tpu.yield
    }) : () -> ()
    %add3A_192 = arith.constant 112 : i32
    %add3A_193 = arith.addi %mul3A_2, %add3A_192 : i32
    %run_scoped3A_194 = arith.constant 1 : i32
    "tpu.region"() ({
      %run_scoped3A_210 = tpu.sem_alloc : memref<!tpu.dma_semaphore, #tpu.memory_space<semaphore_mem>>
      %dma_start3A_211 = arith.constant 0 : i32
      %dma_start3A_212 = arith.constant 0 : i32
      %dma_start3A_213 = tpu.memref_slice %arg6[%run_scoped3A_194, %dma_start3A_211, %dma_start3A_212] : memref<7x112x128xf32, #tpu.memory_space<vmem>> -> memref<1x112x128xf32, #tpu.memory_space<vmem>>
      %dma_start3A_214 = tpu.memref_squeeze %dma_start3A_213 : memref<1x112x128xf32, #tpu.memory_space<vmem>> -> memref<112x128xf32, #tpu.memory_space<vmem>>
      %dma_start3A_215 = arith.constant 0 : i32
      %dma_start3A_216 = tpu.memref_slice %arg4[%add3A_193, %dma_start3A_215] : memref<25088x128xf32, #tpu.memory_space<hbm>> -> memref<112x128xf32, #tpu.memory_space<hbm>>
      %dma_start3A_217 = arith.constant 0 : i32
      %dma_start3A_218 = tpu.memref_slice %arg4[%add3A_193, %dma_start3A_217] : memref<25088x128xf32, #tpu.memory_space<hbm>> -> memref<112x128xf32, #tpu.memory_space<hbm>>
      %dma_start3A_219 = arith.constant 0 : i32
      %dma_start3A_220 = arith.constant 0 : i32
      %dma_start3A_221 = tpu.memref_slice %arg6[%run_scoped3A_194, %dma_start3A_219, %dma_start3A_220] : memref<7x112x128xf32, #tpu.memory_space<vmem>> -> memref<1x112x128xf32, #tpu.memory_space<vmem>>
      %dma_start3A_222 = tpu.memref_squeeze %dma_start3A_221 : memref<1x112x128xf32, #tpu.memory_space<vmem>> -> memref<112x128xf32, #tpu.memory_space<vmem>>
      tpu.enqueue_dma source(%dma_start3A_222 : memref<112x128xf32, #tpu.memory_space<vmem>>) target(%dma_start3A_218 : memref<112x128xf32, #tpu.memory_space<hbm>>) target_semaphore(%run_scoped3A_210 : memref<!tpu.dma_semaphore, #tpu.memory_space<semaphore_mem>>)
      %dma_wait3A_223 = arith.constant 0 : i32
      %dma_wait3A_224 = arith.constant 0 : i32
      %dma_wait3A_225 = tpu.memref_slice %arg6[%run_scoped3A_194, %dma_wait3A_223, %dma_wait3A_224] : memref<7x112x128xf32, #tpu.memory_space<vmem>> -> memref<1x112x128xf32, #tpu.memory_space<vmem>>
      %dma_wait3A_226 = tpu.memref_squeeze %dma_wait3A_225 : memref<1x112x128xf32, #tpu.memory_space<vmem>> -> memref<112x128xf32, #tpu.memory_space<vmem>>
      %dma_wait3A_227 = arith.constant 0 : i32
      %dma_wait3A_228 = tpu.memref_slice %arg4[%add3A_193, %dma_wait3A_227] : memref<25088x128xf32, #tpu.memory_space<hbm>> -> memref<112x128xf32, #tpu.memory_space<hbm>>
      %dma_wait3A_229 = arith.constant 0 : i32
      %dma_wait3A_230 = tpu.memref_slice %arg4[%add3A_193, %dma_wait3A_229] : memref<25088x128xf32, #tpu.memory_space<hbm>> -> memref<112x128xf32, #tpu.memory_space<hbm>>
      %dma_wait3A_231 = arith.constant 0 : i32
      %dma_wait3A_232 = arith.constant 0 : i32
      %dma_wait3A_233 = tpu.memref_slice %arg6[%run_scoped3A_194, %dma_wait3A_231, %dma_wait3A_232] : memref<7x112x128xf32, #tpu.memory_space<vmem>> -> memref<1x112x128xf32, #tpu.memory_space<vmem>>
      %dma_wait3A_234 = tpu.memref_squeeze %dma_wait3A_233 : memref<1x112x128xf32, #tpu.memory_space<vmem>> -> memref<112x128xf32, #tpu.memory_space<vmem>>
      tpu.wait_dma2 semaphore(%run_scoped3A_210 : memref<!tpu.dma_semaphore, #tpu.memory_space<semaphore_mem>>) src(%dma_wait3A_234 : memref<112x128xf32, #tpu.memory_space<vmem>>) dst(%dma_wait3A_230 : memref<112x128xf32, #tpu.memory_space<hbm>>)
      tpu.yield
    }) : () -> ()
    %add3A_195 = arith.constant 224 : i32
    %add3A_196 = arith.addi %mul3A_2, %add3A_195 : i32
    %run_scoped3A_197 = arith.constant 2 : i32
    "tpu.region"() ({
      %run_scoped3A_210 = tpu.sem_alloc : memref<!tpu.dma_semaphore, #tpu.memory_space<semaphore_mem>>
      %dma_start3A_211 = arith.constant 0 : i32
      %dma_start3A_212 = arith.constant 0 : i32
      %dma_start3A_213 = tpu.memref_slice %arg6[%run_scoped3A_197, %dma_start3A_211, %dma_start3A_212] : memref<7x112x128xf32, #tpu.memory_space<vmem>> -> memref<1x112x128xf32, #tpu.memory_space<vmem>>
      %dma_start3A_214 = tpu.memref_squeeze %dma_start3A_213 : memref<1x112x128xf32, #tpu.memory_space<vmem>> -> memref<112x128xf32, #tpu.memory_space<vmem>>
      %dma_start3A_215 = arith.constant 0 : i32
      %dma_start3A_216 = tpu.memref_slice %arg4[%add3A_196, %dma_start3A_215] : memref<25088x128xf32, #tpu.memory_space<hbm>> -> memref<112x128xf32, #tpu.memory_space<hbm>>
      %dma_start3A_217 = arith.constant 0 : i32
      %dma_start3A_218 = tpu.memref_slice %arg4[%add3A_196, %dma_start3A_217] : memref<25088x128xf32, #tpu.memory_space<hbm>> -> memref<112x128xf32, #tpu.memory_space<hbm>>
      %dma_start3A_219 = arith.constant 0 : i32
      %dma_start3A_220 = arith.constant 0 : i32
      %dma_start3A_221 = tpu.memref_slice %arg6[%run_scoped3A_197, %dma_start3A_219, %dma_start3A_220] : memref<7x112x128xf32, #tpu.memory_space<vmem>> -> memref<1x112x128xf32, #tpu.memory_space<vmem>>
      %dma_start3A_222 = tpu.memref_squeeze %dma_start3A_221 : memref<1x112x128xf32, #tpu.memory_space<vmem>> -> memref<112x128xf32, #tpu.memory_space<vmem>>
      tpu.enqueue_dma source(%dma_start3A_222 : memref<112x128xf32, #tpu.memory_space<vmem>>) target(%dma_start3A_218 : memref<112x128xf32, #tpu.memory_space<hbm>>) target_semaphore(%run_scoped3A_210 : memref<!tpu.dma_semaphore, #tpu.memory_space<semaphore_mem>>)
      %dma_wait3A_223 = arith.constant 0 : i32
      %dma_wait3A_224 = arith.constant 0 : i32
      %dma_wait3A_225 = tpu.memref_slice %arg6[%run_scoped3A_197, %dma_wait3A_223, %dma_wait3A_224] : memref<7x112x128xf32, #tpu.memory_space<vmem>> -> memref<1x112x128xf32, #tpu.memory_space<vmem>>
      %dma_wait3A_226 = tpu.memref_squeeze %dma_wait3A_225 : memref<1x112x128xf32, #tpu.memory_space<vmem>> -> memref<112x128xf32, #tpu.memory_space<vmem>>
      %dma_wait3A_227 = arith.constant 0 : i32
      %dma_wait3A_228 = tpu.memref_slice %arg4[%add3A_196, %dma_wait3A_227] : memref<25088x128xf32, #tpu.memory_space<hbm>> -> memref<112x128xf32, #tpu.memory_space<hbm>>
      %dma_wait3A_229 = arith.constant 0 : i32
      %dma_wait3A_230 = tpu.memref_slice %arg4[%add3A_196, %dma_wait3A_229] : memref<25088x128xf32, #tpu.memory_space<hbm>> -> memref<112x128xf32, #tpu.memory_space<hbm>>
      %dma_wait3A_231 = arith.constant 0 : i32
      %dma_wait3A_232 = arith.constant 0 : i32
      %dma_wait3A_233 = tpu.memref_slice %arg6[%run_scoped3A_197, %dma_wait3A_231, %dma_wait3A_232] : memref<7x112x128xf32, #tpu.memory_space<vmem>> -> memref<1x112x128xf32, #tpu.memory_space<vmem>>
      %dma_wait3A_234 = tpu.memref_squeeze %dma_wait3A_233 : memref<1x112x128xf32, #tpu.memory_space<vmem>> -> memref<112x128xf32, #tpu.memory_space<vmem>>
      tpu.wait_dma2 semaphore(%run_scoped3A_210 : memref<!tpu.dma_semaphore, #tpu.memory_space<semaphore_mem>>) src(%dma_wait3A_234 : memref<112x128xf32, #tpu.memory_space<vmem>>) dst(%dma_wait3A_230 : memref<112x128xf32, #tpu.memory_space<hbm>>)
      tpu.yield
    }) : () -> ()
    %add3A_198 = arith.constant 336 : i32
    %add3A_199 = arith.addi %mul3A_2, %add3A_198 : i32
    %run_scoped3A_200 = arith.constant 3 : i32
    "tpu.region"() ({
      %run_scoped3A_210 = tpu.sem_alloc : memref<!tpu.dma_semaphore, #tpu.memory_space<semaphore_mem>>
      %dma_start3A_211 = arith.constant 0 : i32
      %dma_start3A_212 = arith.constant 0 : i32
      %dma_start3A_213 = tpu.memref_slice %arg6[%run_scoped3A_200, %dma_start3A_211, %dma_start3A_212] : memref<7x112x128xf32, #tpu.memory_space<vmem>> -> memref<1x112x128xf32, #tpu.memory_space<vmem>>
      %dma_start3A_214 = tpu.memref_squeeze %dma_start3A_213 : memref<1x112x128xf32, #tpu.memory_space<vmem>> -> memref<112x128xf32, #tpu.memory_space<vmem>>
      %dma_start3A_215 = arith.constant 0 : i32
      %dma_start3A_216 = tpu.memref_slice %arg4[%add3A_199, %dma_start3A_215] : memref<25088x128xf32, #tpu.memory_space<hbm>> -> memref<112x128xf32, #tpu.memory_space<hbm>>
      %dma_start3A_217 = arith.constant 0 : i32
      %dma_start3A_218 = tpu.memref_slice %arg4[%add3A_199, %dma_start3A_217] : memref<25088x128xf32, #tpu.memory_space<hbm>> -> memref<112x128xf32, #tpu.memory_space<hbm>>
      %dma_start3A_219 = arith.constant 0 : i32
      %dma_start3A_220 = arith.constant 0 : i32
      %dma_start3A_221 = tpu.memref_slice %arg6[%run_scoped3A_200, %dma_start3A_219, %dma_start3A_220] : memref<7x112x128xf32, #tpu.memory_space<vmem>> -> memref<1x112x128xf32, #tpu.memory_space<vmem>>
      %dma_start3A_222 = tpu.memref_squeeze %dma_start3A_221 : memref<1x112x128xf32, #tpu.memory_space<vmem>> -> memref<112x128xf32, #tpu.memory_space<vmem>>
      tpu.enqueue_dma source(%dma_start3A_222 : memref<112x128xf32, #tpu.memory_space<vmem>>) target(%dma_start3A_218 : memref<112x128xf32, #tpu.memory_space<hbm>>) target_semaphore(%run_scoped3A_210 : memref<!tpu.dma_semaphore, #tpu.memory_space<semaphore_mem>>)
      %dma_wait3A_223 = arith.constant 0 : i32
      %dma_wait3A_224 = arith.constant 0 : i32
      %dma_wait3A_225 = tpu.memref_slice %arg6[%run_scoped3A_200, %dma_wait3A_223, %dma_wait3A_224] : memref<7x112x128xf32, #tpu.memory_space<vmem>> -> memref<1x112x128xf32, #tpu.memory_space<vmem>>
      %dma_wait3A_226 = tpu.memref_squeeze %dma_wait3A_225 : memref<1x112x128xf32, #tpu.memory_space<vmem>> -> memref<112x128xf32, #tpu.memory_space<vmem>>
      %dma_wait3A_227 = arith.constant 0 : i32
      %dma_wait3A_228 = tpu.memref_slice %arg4[%add3A_199, %dma_wait3A_227] : memref<25088x128xf32, #tpu.memory_space<hbm>> -> memref<112x128xf32, #tpu.memory_space<hbm>>
      %dma_wait3A_229 = arith.constant 0 : i32
      %dma_wait3A_230 = tpu.memref_slice %arg4[%add3A_199, %dma_wait3A_229] : memref<25088x128xf32, #tpu.memory_space<hbm>> -> memref<112x128xf32, #tpu.memory_space<hbm>>
      %dma_wait3A_231 = arith.constant 0 : i32
      %dma_wait3A_232 = arith.constant 0 : i32
      %dma_wait3A_233 = tpu.memref_slice %arg6[%run_scoped3A_200, %dma_wait3A_231, %dma_wait3A_232] : memref<7x112x128xf32, #tpu.memory_space<vmem>> -> memref<1x112x128xf32, #tpu.memory_space<vmem>>
      %dma_wait3A_234 = tpu.memref_squeeze %dma_wait3A_233 : memref<1x112x128xf32, #tpu.memory_space<vmem>> -> memref<112x128xf32, #tpu.memory_space<vmem>>
      tpu.wait_dma2 semaphore(%run_scoped3A_210 : memref<!tpu.dma_semaphore, #tpu.memory_space<semaphore_mem>>) src(%dma_wait3A_234 : memref<112x128xf32, #tpu.memory_space<vmem>>) dst(%dma_wait3A_230 : memref<112x128xf32, #tpu.memory_space<hbm>>)
      tpu.yield
    }) : () -> ()
    %add3A_201 = arith.constant 448 : i32
    %add3A_202 = arith.addi %mul3A_2, %add3A_201 : i32
    %run_scoped3A_203 = arith.constant 4 : i32
    "tpu.region"() ({
      %run_scoped3A_210 = tpu.sem_alloc : memref<!tpu.dma_semaphore, #tpu.memory_space<semaphore_mem>>
      %dma_start3A_211 = arith.constant 0 : i32
      %dma_start3A_212 = arith.constant 0 : i32
      %dma_start3A_213 = tpu.memref_slice %arg6[%run_scoped3A_203, %dma_start3A_211, %dma_start3A_212] : memref<7x112x128xf32, #tpu.memory_space<vmem>> -> memref<1x112x128xf32, #tpu.memory_space<vmem>>
      %dma_start3A_214 = tpu.memref_squeeze %dma_start3A_213 : memref<1x112x128xf32, #tpu.memory_space<vmem>> -> memref<112x128xf32, #tpu.memory_space<vmem>>
      %dma_start3A_215 = arith.constant 0 : i32
      %dma_start3A_216 = tpu.memref_slice %arg4[%add3A_202, %dma_start3A_215] : memref<25088x128xf32, #tpu.memory_space<hbm>> -> memref<112x128xf32, #tpu.memory_space<hbm>>
      %dma_start3A_217 = arith.constant 0 : i32
      %dma_start3A_218 = tpu.memref_slice %arg4[%add3A_202, %dma_start3A_217] : memref<25088x128xf32, #tpu.memory_space<hbm>> -> memref<112x128xf32, #tpu.memory_space<hbm>>
      %dma_start3A_219 = arith.constant 0 : i32
      %dma_start3A_220 = arith.constant 0 : i32
      %dma_start3A_221 = tpu.memref_slice %arg6[%run_scoped3A_203, %dma_start3A_219, %dma_start3A_220] : memref<7x112x128xf32, #tpu.memory_space<vmem>> -> memref<1x112x128xf32, #tpu.memory_space<vmem>>
      %dma_start3A_222 = tpu.memref_squeeze %dma_start3A_221 : memref<1x112x128xf32, #tpu.memory_space<vmem>> -> memref<112x128xf32, #tpu.memory_space<vmem>>
      tpu.enqueue_dma source(%dma_start3A_222 : memref<112x128xf32, #tpu.memory_space<vmem>>) target(%dma_start3A_218 : memref<112x128xf32, #tpu.memory_space<hbm>>) target_semaphore(%run_scoped3A_210 : memref<!tpu.dma_semaphore, #tpu.memory_space<semaphore_mem>>)
      %dma_wait3A_223 = arith.constant 0 : i32
      %dma_wait3A_224 = arith.constant 0 : i32
      %dma_wait3A_225 = tpu.memref_slice %arg6[%run_scoped3A_203, %dma_wait3A_223, %dma_wait3A_224] : memref<7x112x128xf32, #tpu.memory_space<vmem>> -> memref<1x112x128xf32, #tpu.memory_space<vmem>>
      %dma_wait3A_226 = tpu.memref_squeeze %dma_wait3A_225 : memref<1x112x128xf32, #tpu.memory_space<vmem>> -> memref<112x128xf32, #tpu.memory_space<vmem>>
      %dma_wait3A_227 = arith.constant 0 : i32
      %dma_wait3A_228 = tpu.memref_slice %arg4[%add3A_202, %dma_wait3A_227] : memref<25088x128xf32, #tpu.memory_space<hbm>> -> memref<112x128xf32, #tpu.memory_space<hbm>>
      %dma_wait3A_229 = arith.constant 0 : i32
      %dma_wait3A_230 = tpu.memref_slice %arg4[%add3A_202, %dma_wait3A_229] : memref<25088x128xf32, #tpu.memory_space<hbm>> -> memref<112x128xf32, #tpu.memory_space<hbm>>
      %dma_wait3A_231 = arith.constant 0 : i32
      %dma_wait3A_232 = arith.constant 0 : i32
      %dma_wait3A_233 = tpu.memref_slice %arg6[%run_scoped3A_203, %dma_wait3A_231, %dma_wait3A_232] : memref<7x112x128xf32, #tpu.memory_space<vmem>> -> memref<1x112x128xf32, #tpu.memory_space<vmem>>
      %dma_wait3A_234 = tpu.memref_squeeze %dma_wait3A_233 : memref<1x112x128xf32, #tpu.memory_space<vmem>> -> memref<112x128xf32, #tpu.memory_space<vmem>>
      tpu.wait_dma2 semaphore(%run_scoped3A_210 : memref<!tpu.dma_semaphore, #tpu.memory_space<semaphore_mem>>) src(%dma_wait3A_234 : memref<112x128xf32, #tpu.memory_space<vmem>>) dst(%dma_wait3A_230 : memref<112x128xf32, #tpu.memory_space<hbm>>)
      tpu.yield
    }) : () -> ()
    %add3A_204 = arith.constant 560 : i32
    %add3A_205 = arith.addi %mul3A_2, %add3A_204 : i32
    %run_scoped3A_206 = arith.constant 5 : i32
    "tpu.region"() ({
      %run_scoped3A_210 = tpu.sem_alloc : memref<!tpu.dma_semaphore, #tpu.memory_space<semaphore_mem>>
      %dma_start3A_211 = arith.constant 0 : i32
      %dma_start3A_212 = arith.constant 0 : i32
      %dma_start3A_213 = tpu.memref_slice %arg6[%run_scoped3A_206, %dma_start3A_211, %dma_start3A_212] : memref<7x112x128xf32, #tpu.memory_space<vmem>> -> memref<1x112x128xf32, #tpu.memory_space<vmem>>
      %dma_start3A_214 = tpu.memref_squeeze %dma_start3A_213 : memref<1x112x128xf32, #tpu.memory_space<vmem>> -> memref<112x128xf32, #tpu.memory_space<vmem>>
      %dma_start3A_215 = arith.constant 0 : i32
      %dma_start3A_216 = tpu.memref_slice %arg4[%add3A_205, %dma_start3A_215] : memref<25088x128xf32, #tpu.memory_space<hbm>> -> memref<112x128xf32, #tpu.memory_space<hbm>>
      %dma_start3A_217 = arith.constant 0 : i32
      %dma_start3A_218 = tpu.memref_slice %arg4[%add3A_205, %dma_start3A_217] : memref<25088x128xf32, #tpu.memory_space<hbm>> -> memref<112x128xf32, #tpu.memory_space<hbm>>
      %dma_start3A_219 = arith.constant 0 : i32
      %dma_start3A_220 = arith.constant 0 : i32
      %dma_start3A_221 = tpu.memref_slice %arg6[%run_scoped3A_206, %dma_start3A_219, %dma_start3A_220] : memref<7x112x128xf32, #tpu.memory_space<vmem>> -> memref<1x112x128xf32, #tpu.memory_space<vmem>>
      %dma_start3A_222 = tpu.memref_squeeze %dma_start3A_221 : memref<1x112x128xf32, #tpu.memory_space<vmem>> -> memref<112x128xf32, #tpu.memory_space<vmem>>
      tpu.enqueue_dma source(%dma_start3A_222 : memref<112x128xf32, #tpu.memory_space<vmem>>) target(%dma_start3A_218 : memref<112x128xf32, #tpu.memory_space<hbm>>) target_semaphore(%run_scoped3A_210 : memref<!tpu.dma_semaphore, #tpu.memory_space<semaphore_mem>>)
      %dma_wait3A_223 = arith.constant 0 : i32
      %dma_wait3A_224 = arith.constant 0 : i32
      %dma_wait3A_225 = tpu.memref_slice %arg6[%run_scoped3A_206, %dma_wait3A_223, %dma_wait3A_224] : memref<7x112x128xf32, #tpu.memory_space<vmem>> -> memref<1x112x128xf32, #tpu.memory_space<vmem>>
      %dma_wait3A_226 = tpu.memref_squeeze %dma_wait3A_225 : memref<1x112x128xf32, #tpu.memory_space<vmem>> -> memref<112x128xf32, #tpu.memory_space<vmem>>
      %dma_wait3A_227 = arith.constant 0 : i32
      %dma_wait3A_228 = tpu.memref_slice %arg4[%add3A_205, %dma_wait3A_227] : memref<25088x128xf32, #tpu.memory_space<hbm>> -> memref<112x128xf32, #tpu.memory_space<hbm>>
      %dma_wait3A_229 = arith.constant 0 : i32
      %dma_wait3A_230 = tpu.memref_slice %arg4[%add3A_205, %dma_wait3A_229] : memref<25088x128xf32, #tpu.memory_space<hbm>> -> memref<112x128xf32, #tpu.memory_space<hbm>>
      %dma_wait3A_231 = arith.constant 0 : i32
      %dma_wait3A_232 = arith.constant 0 : i32
      %dma_wait3A_233 = tpu.memref_slice %arg6[%run_scoped3A_206, %dma_wait3A_231, %dma_wait3A_232] : memref<7x112x128xf32, #tpu.memory_space<vmem>> -> memref<1x112x128xf32, #tpu.memory_space<vmem>>
      %dma_wait3A_234 = tpu.memref_squeeze %dma_wait3A_233 : memref<1x112x128xf32, #tpu.memory_space<vmem>> -> memref<112x128xf32, #tpu.memory_space<vmem>>
      tpu.wait_dma2 semaphore(%run_scoped3A_210 : memref<!tpu.dma_semaphore, #tpu.memory_space<semaphore_mem>>) src(%dma_wait3A_234 : memref<112x128xf32, #tpu.memory_space<vmem>>) dst(%dma_wait3A_230 : memref<112x128xf32, #tpu.memory_space<hbm>>)
      tpu.yield
    }) : () -> ()
    %add3A_207 = arith.constant 672 : i32
    %add3A_208 = arith.addi %mul3A_2, %add3A_207 : i32
    %run_scoped3A_209 = arith.constant 6 : i32
    "tpu.region"() ({
      %run_scoped3A_210 = tpu.sem_alloc : memref<!tpu.dma_semaphore, #tpu.memory_space<semaphore_mem>>
      %dma_start3A_211 = arith.constant 0 : i32
      %dma_start3A_212 = arith.constant 0 : i32
      %dma_start3A_213 = tpu.memref_slice %arg6[%run_scoped3A_209, %dma_start3A_211, %dma_start3A_212] : memref<7x112x128xf32, #tpu.memory_space<vmem>> -> memref<1x112x128xf32, #tpu.memory_space<vmem>>
      %dma_start3A_214 = tpu.memref_squeeze %dma_start3A_213 : memref<1x112x128xf32, #tpu.memory_space<vmem>> -> memref<112x128xf32, #tpu.memory_space<vmem>>
      %dma_start3A_215 = arith.constant 0 : i32
      %dma_start3A_216 = tpu.memref_slice %arg4[%add3A_208, %dma_start3A_215] : memref<25088x128xf32, #tpu.memory_space<hbm>> -> memref<112x128xf32, #tpu.memory_space<hbm>>
      %dma_start3A_217 = arith.constant 0 : i32
      %dma_start3A_218 = tpu.memref_slice %arg4[%add3A_208, %dma_start3A_217] : memref<25088x128xf32, #tpu.memory_space<hbm>> -> memref<112x128xf32, #tpu.memory_space<hbm>>
      %dma_start3A_219 = arith.constant 0 : i32
      %dma_start3A_220 = arith.constant 0 : i32
      %dma_start3A_221 = tpu.memref_slice %arg6[%run_scoped3A_209, %dma_start3A_219, %dma_start3A_220] : memref<7x112x128xf32, #tpu.memory_space<vmem>> -> memref<1x112x128xf32, #tpu.memory_space<vmem>>
      %dma_start3A_222 = tpu.memref_squeeze %dma_start3A_221 : memref<1x112x128xf32, #tpu.memory_space<vmem>> -> memref<112x128xf32, #tpu.memory_space<vmem>>
      tpu.enqueue_dma source(%dma_start3A_222 : memref<112x128xf32, #tpu.memory_space<vmem>>) target(%dma_start3A_218 : memref<112x128xf32, #tpu.memory_space<hbm>>) target_semaphore(%run_scoped3A_210 : memref<!tpu.dma_semaphore, #tpu.memory_space<semaphore_mem>>)
      %dma_wait3A_223 = arith.constant 0 : i32
      %dma_wait3A_224 = arith.constant 0 : i32
      %dma_wait3A_225 = tpu.memref_slice %arg6[%run_scoped3A_209, %dma_wait3A_223, %dma_wait3A_224] : memref<7x112x128xf32, #tpu.memory_space<vmem>> -> memref<1x112x128xf32, #tpu.memory_space<vmem>>
      %dma_wait3A_226 = tpu.memref_squeeze %dma_wait3A_225 : memref<1x112x128xf32, #tpu.memory_space<vmem>> -> memref<112x128xf32, #tpu.memory_space<vmem>>
      %dma_wait3A_227 = arith.constant 0 : i32
      %dma_wait3A_228 = tpu.memref_slice %arg4[%add3A_208, %dma_wait3A_227] : memref<25088x128xf32, #tpu.memory_space<hbm>> -> memref<112x128xf32, #tpu.memory_space<hbm>>
      %dma_wait3A_229 = arith.constant 0 : i32
      %dma_wait3A_230 = tpu.memref_slice %arg4[%add3A_208, %dma_wait3A_229] : memref<25088x128xf32, #tpu.memory_space<hbm>> -> memref<112x128xf32, #tpu.memory_space<hbm>>
      %dma_wait3A_231 = arith.constant 0 : i32
      %dma_wait3A_232 = arith.constant 0 : i32
      %dma_wait3A_233 = tpu.memref_slice %arg6[%run_scoped3A_209, %dma_wait3A_231, %dma_wait3A_232] : memref<7x112x128xf32, #tpu.memory_space<vmem>> -> memref<1x112x128xf32, #tpu.memory_space<vmem>>
      %dma_wait3A_234 = tpu.memref_squeeze %dma_wait3A_233 : memref<1x112x128xf32, #tpu.memory_space<vmem>> -> memref<112x128xf32, #tpu.memory_space<vmem>>
      tpu.wait_dma2 semaphore(%run_scoped3A_210 : memref<!tpu.dma_semaphore, #tpu.memory_space<semaphore_mem>>) src(%dma_wait3A_234 : memref<112x128xf32, #tpu.memory_space<vmem>>) dst(%dma_wait3A_230 : memref<112x128xf32, #tpu.memory_space<hbm>>)
      tpu.yield
    }) : () -> ()
    return
  }
}

module attributes {stable_mosaic.version = 14 : i64} {
  func.func @_conv1_body(%arg0: i32, %arg1: memref<1x58x58x48xf32, #tpu.memory_space<vmem>>, %arg2: memref<4x48x256xf32, #tpu.memory_space<vmem>>, %arg3: memref<1x256xf32, #tpu.memory_space<vmem>>, %arg4: memref<1x57x57x256xf32, #tpu.memory_space<vmem>>) attributes {dimension_semantics = [#tpu.dimension_semantics<arbitrary>], iteration_bounds = array<i64: 8>, scalar_prefetch = 0 : i64, scratch_operands = 0 : i64, tpu.core_type = #tpu.core_type<tc>, window_params = [{transform_indices = @transform_0, window_bounds = array<i64: 1, 58, 58, 48>}, {pipeline_mode = #tpu.pipeline_mode<synchronous>, transform_indices = @transform_1, window_bounds = array<i64: 4, 48, 256>}, {pipeline_mode = #tpu.pipeline_mode<synchronous>, transform_indices = @transform_2, window_bounds = array<i64: 1, 256>}, {transform_indices = @transform_3, window_bounds = array<i64: 1, 57, 57, 256>}]} {
    %get3A = arith.constant 0 : index
    %get3A_0 = arith.constant 0 : index
    %get3A_1 = arith.constant 0 : index
    %get3A_2 = arith.constant 0 : index
    %get3A_3 = vector.load %arg1[%get3A, %get3A_0, %get3A_1, %get3A_2] : memref<1x58x58x48xf32, #tpu.memory_space<vmem>>, vector<1x57x57x48xf32>
    %get3A_4 = vector.shape_cast %get3A_3 : vector<1x57x57x48xf32> to vector<57x57x48xf32>
    %reshape3A = vector.shape_cast %get3A_4 : vector<57x57x48xf32> to vector<3249x48xf32>
    %get3A_5 = arith.constant 0 : index
    %get3A_6 = arith.constant 0 : index
    %get3A_7 = arith.constant 0 : index
    %get3A_8 = vector.load %arg2[%get3A_5, %get3A_6, %get3A_7] : memref<4x48x256xf32, #tpu.memory_space<vmem>>, vector<1x48x256xf32>
    %get3A_9 = vector.shape_cast %get3A_8 : vector<1x48x256xf32> to vector<48x256xf32>
    %dot_general3A = arith.constant dense<0.000000e+00> : vector<3249x256xf32>
    %dot_general3A_10 = tpu.matmul %reshape3A, %get3A_9, %dot_general3A {dimension_numbers = #tpu.dot_dimension_numbers<[1], [0], [0], [1], [0, 0, 1, 1], [], []>, transpose_lhs_hint = false} : vector<3249x48xf32>, vector<48x256xf32>, vector<3249x256xf32> -> vector<3249x256xf32>
    %get3A_11 = arith.constant 0 : index
    %get3A_12 = arith.constant 0 : index
    %get3A_13 = arith.constant 1 : index
    %get3A_14 = arith.constant 0 : index
    %get3A_15 = vector.load %arg1[%get3A_11, %get3A_12, %get3A_13, %get3A_14] : memref<1x58x58x48xf32, #tpu.memory_space<vmem>>, vector<1x57x57x48xf32>
    %get3A_16 = vector.shape_cast %get3A_15 : vector<1x57x57x48xf32> to vector<57x57x48xf32>
    %reshape3A_17 = vector.shape_cast %get3A_16 : vector<57x57x48xf32> to vector<3249x48xf32>
    %get3A_18 = arith.constant 1 : index
    %get3A_19 = arith.constant 0 : index
    %get3A_20 = arith.constant 0 : index
    %get3A_21 = vector.load %arg2[%get3A_18, %get3A_19, %get3A_20] : memref<4x48x256xf32, #tpu.memory_space<vmem>>, vector<1x48x256xf32>
    %get3A_22 = vector.shape_cast %get3A_21 : vector<1x48x256xf32> to vector<48x256xf32>
    %dot_general3A_23 = arith.constant dense<0.000000e+00> : vector<3249x256xf32>
    %dot_general3A_24 = tpu.matmul %reshape3A_17, %get3A_22, %dot_general3A_23 {dimension_numbers = #tpu.dot_dimension_numbers<[1], [0], [0], [1], [0, 0, 1, 1], [], []>, transpose_lhs_hint = false} : vector<3249x48xf32>, vector<48x256xf32>, vector<3249x256xf32> -> vector<3249x256xf32>
    %add3A = arith.addf %dot_general3A_10, %dot_general3A_24 : vector<3249x256xf32>
    %get3A_25 = arith.constant 0 : index
    %get3A_26 = arith.constant 1 : index
    %get3A_27 = arith.constant 0 : index
    %get3A_28 = arith.constant 0 : index
    %get3A_29 = vector.load %arg1[%get3A_25, %get3A_26, %get3A_27, %get3A_28] : memref<1x58x58x48xf32, #tpu.memory_space<vmem>>, vector<1x57x57x48xf32>
    %get3A_30 = vector.shape_cast %get3A_29 : vector<1x57x57x48xf32> to vector<57x57x48xf32>
    %reshape3A_31 = vector.shape_cast %get3A_30 : vector<57x57x48xf32> to vector<3249x48xf32>
    %get3A_32 = arith.constant 2 : index
    %get3A_33 = arith.constant 0 : index
    %get3A_34 = arith.constant 0 : index
    %get3A_35 = vector.load %arg2[%get3A_32, %get3A_33, %get3A_34] : memref<4x48x256xf32, #tpu.memory_space<vmem>>, vector<1x48x256xf32>
    %get3A_36 = vector.shape_cast %get3A_35 : vector<1x48x256xf32> to vector<48x256xf32>
    %dot_general3A_37 = arith.constant dense<0.000000e+00> : vector<3249x256xf32>
    %dot_general3A_38 = tpu.matmul %reshape3A_31, %get3A_36, %dot_general3A_37 {dimension_numbers = #tpu.dot_dimension_numbers<[1], [0], [0], [1], [0, 0, 1, 1], [], []>, transpose_lhs_hint = false} : vector<3249x48xf32>, vector<48x256xf32>, vector<3249x256xf32> -> vector<3249x256xf32>
    %add3A_39 = arith.addf %add3A, %dot_general3A_38 : vector<3249x256xf32>
    %get3A_40 = arith.constant 0 : index
    %get3A_41 = arith.constant 1 : index
    %get3A_42 = arith.constant 1 : index
    %get3A_43 = arith.constant 0 : index
    %get3A_44 = vector.load %arg1[%get3A_40, %get3A_41, %get3A_42, %get3A_43] : memref<1x58x58x48xf32, #tpu.memory_space<vmem>>, vector<1x57x57x48xf32>
    %get3A_45 = vector.shape_cast %get3A_44 : vector<1x57x57x48xf32> to vector<57x57x48xf32>
    %reshape3A_46 = vector.shape_cast %get3A_45 : vector<57x57x48xf32> to vector<3249x48xf32>
    %get3A_47 = arith.constant 3 : index
    %get3A_48 = arith.constant 0 : index
    %get3A_49 = arith.constant 0 : index
    %get3A_50 = vector.load %arg2[%get3A_47, %get3A_48, %get3A_49] : memref<4x48x256xf32, #tpu.memory_space<vmem>>, vector<1x48x256xf32>
    %get3A_51 = vector.shape_cast %get3A_50 : vector<1x48x256xf32> to vector<48x256xf32>
    %dot_general3A_52 = arith.constant dense<0.000000e+00> : vector<3249x256xf32>
    %dot_general3A_53 = tpu.matmul %reshape3A_46, %get3A_51, %dot_general3A_52 {dimension_numbers = #tpu.dot_dimension_numbers<[1], [0], [0], [1], [0, 0, 1, 1], [], []>, transpose_lhs_hint = false} : vector<3249x48xf32>, vector<48x256xf32>, vector<3249x256xf32> -> vector<3249x256xf32>
    %add3A_54 = arith.addf %add3A_39, %dot_general3A_53 : vector<3249x256xf32>
    %get3A_55 = arith.constant 0 : index
    %get3A_56 = arith.constant 0 : index
    %get3A_57 = vector.load %arg3[%get3A_55, %get3A_56] : memref<1x256xf32, #tpu.memory_space<vmem>>, vector<1x256xf32>
    %add3A_58 = vector.broadcast %get3A_57 : vector<1x256xf32> to vector<3249x256xf32>
    %add3A_59 = arith.addf %add3A_54, %add3A_58 : vector<3249x256xf32>
    %max3A = arith.constant 0.000000e+00 : f32
    %max3A_60 = vector.broadcast %max3A : f32 to vector<3249x256xf32>
    %max3A_61 = arith.maximumf %add3A_59, %max3A_60 : vector<3249x256xf32>
    %reshape3A_62 = vector.shape_cast %max3A_61 : vector<3249x256xf32> to vector<57x57x256xf32>
    %swap3A = arith.constant 0 : index
    %swap3A_63 = arith.constant 0 : index
    %swap3A_64 = arith.constant 0 : index
    %swap3A_65 = arith.constant 0 : index
    %swap3A_66 = vector.load %arg4[%swap3A, %swap3A_63, %swap3A_64, %swap3A_65] : memref<1x57x57x256xf32, #tpu.memory_space<vmem>>, vector<1x57x57x256xf32>
    %swap3A_67 = vector.shape_cast %swap3A_66 : vector<1x57x57x256xf32> to vector<57x57x256xf32>
    %swap3A_68 = vector.shape_cast %reshape3A_62 : vector<57x57x256xf32> to vector<1x57x57x256xf32>
    tpu.vector_store %arg4[%swap3A, %swap3A_63, %swap3A_64, %swap3A_65], %swap3A_68 {strides = array<i32>} : memref<1x57x57x256xf32, #tpu.memory_space<vmem>>, vector<1x57x57x256xf32>,
    %broadcast_in_dim3A = arith.constant 0.000000e+00 : f32
    %broadcast_in_dim3A_69 = vector.broadcast %broadcast_in_dim3A : f32 to vector<1x57x128xf32>
    %swap3A_70 = arith.constant 0 : index
    %swap3A_71 = arith.constant 0 : index
    %swap3A_72 = arith.constant 0 : index
    %swap3A_73 = arith.constant 0 : index
    %swap3A_74 = vector.load %arg4[%swap3A_70, %swap3A_71, %swap3A_72, %swap3A_73] : memref<1x57x57x256xf32, #tpu.memory_space<vmem>>, vector<1x1x57x128xf32>
    %swap3A_75 = vector.shape_cast %swap3A_74 : vector<1x1x57x128xf32> to vector<1x57x128xf32>
    %swap3A_76 = vector.shape_cast %broadcast_in_dim3A_69 : vector<1x57x128xf32> to vector<1x1x57x128xf32>
    tpu.vector_store %arg4[%swap3A_70, %swap3A_71, %swap3A_72, %swap3A_73], %swap3A_76 {strides = array<i32>} : memref<1x57x57x256xf32, #tpu.memory_space<vmem>>, vector<1x1x57x128xf32>,
    %broadcast_in_dim3A_77 = arith.constant 0.000000e+00 : f32
    %broadcast_in_dim3A_78 = vector.broadcast %broadcast_in_dim3A_77 : f32 to vector<1x57x128xf32>
    %swap3A_79 = arith.constant 0 : index
    %swap3A_80 = arith.constant 56 : index
    %swap3A_81 = arith.constant 0 : index
    %swap3A_82 = arith.constant 128 : index
    %swap3A_83 = vector.load %arg4[%swap3A_79, %swap3A_80, %swap3A_81, %swap3A_82] : memref<1x57x57x256xf32, #tpu.memory_space<vmem>>, vector<1x1x57x128xf32>
    %swap3A_84 = vector.shape_cast %swap3A_83 : vector<1x1x57x128xf32> to vector<1x57x128xf32>
    %swap3A_85 = vector.shape_cast %broadcast_in_dim3A_78 : vector<1x57x128xf32> to vector<1x1x57x128xf32>
    tpu.vector_store %arg4[%swap3A_79, %swap3A_80, %swap3A_81, %swap3A_82], %swap3A_85 {strides = array<i32>} : memref<1x57x57x256xf32, #tpu.memory_space<vmem>>, vector<1x1x57x128xf32>,
    %broadcast_in_dim3A_86 = arith.constant 0.000000e+00 : f32
    %broadcast_in_dim3A_87 = vector.broadcast %broadcast_in_dim3A_86 : f32 to vector<57x1x64xf32>
    %swap3A_88 = arith.constant 0 : index
    %swap3A_89 = arith.constant 0 : index
    %swap3A_90 = arith.constant 0 : index
    %swap3A_91 = arith.constant 0 : index
    %swap3A_92 = vector.load %arg4[%swap3A_88, %swap3A_89, %swap3A_90, %swap3A_91] : memref<1x57x57x256xf32, #tpu.memory_space<vmem>>, vector<1x57x1x64xf32>
    %swap3A_93 = vector.shape_cast %swap3A_92 : vector<1x57x1x64xf32> to vector<57x1x64xf32>
    %swap3A_94 = vector.shape_cast %broadcast_in_dim3A_87 : vector<57x1x64xf32> to vector<1x57x1x64xf32>
    tpu.vector_store %arg4[%swap3A_88, %swap3A_89, %swap3A_90, %swap3A_91], %swap3A_94 {strides = array<i32>} : memref<1x57x57x256xf32, #tpu.memory_space<vmem>>, vector<1x57x1x64xf32>,
    %broadcast_in_dim3A_95 = arith.constant 0.000000e+00 : f32
    %broadcast_in_dim3A_96 = vector.broadcast %broadcast_in_dim3A_95 : f32 to vector<57x1x64xf32>
    %swap3A_97 = arith.constant 0 : index
    %swap3A_98 = arith.constant 0 : index
    %swap3A_99 = arith.constant 56 : index
    %swap3A_100 = arith.constant 64 : index
    %swap3A_101 = vector.load %arg4[%swap3A_97, %swap3A_98, %swap3A_99, %swap3A_100] : memref<1x57x57x256xf32, #tpu.memory_space<vmem>>, vector<1x57x1x64xf32>
    %swap3A_102 = vector.shape_cast %swap3A_101 : vector<1x57x1x64xf32> to vector<57x1x64xf32>
    %swap3A_103 = vector.shape_cast %broadcast_in_dim3A_96 : vector<57x1x64xf32> to vector<1x57x1x64xf32>
    tpu.vector_store %arg4[%swap3A_97, %swap3A_98, %swap3A_99, %swap3A_100], %swap3A_103 {strides = array<i32>} : memref<1x57x57x256xf32, #tpu.memory_space<vmem>>, vector<1x57x1x64xf32>,
    %broadcast_in_dim3A_104 = arith.constant 0.000000e+00 : f32
    %broadcast_in_dim3A_105 = vector.broadcast %broadcast_in_dim3A_104 : f32 to vector<57x1x64xf32>
    %swap3A_106 = arith.constant 0 : index
    %swap3A_107 = arith.constant 0 : index
    %swap3A_108 = arith.constant 0 : index
    %swap3A_109 = arith.constant 128 : index
    %swap3A_110 = vector.load %arg4[%swap3A_106, %swap3A_107, %swap3A_108, %swap3A_109] : memref<1x57x57x256xf32, #tpu.memory_space<vmem>>, vector<1x57x1x64xf32>
    %swap3A_111 = vector.shape_cast %swap3A_110 : vector<1x57x1x64xf32> to vector<57x1x64xf32>
    %swap3A_112 = vector.shape_cast %broadcast_in_dim3A_105 : vector<57x1x64xf32> to vector<1x57x1x64xf32>
    tpu.vector_store %arg4[%swap3A_106, %swap3A_107, %swap3A_108, %swap3A_109], %swap3A_112 {strides = array<i32>} : memref<1x57x57x256xf32, #tpu.memory_space<vmem>>, vector<1x57x1x64xf32>,
    %broadcast_in_dim3A_113 = arith.constant 0.000000e+00 : f32
    %broadcast_in_dim3A_114 = vector.broadcast %broadcast_in_dim3A_113 : f32 to vector<57x1x64xf32>
    %swap3A_115 = arith.constant 0 : index
    %swap3A_116 = arith.constant 0 : index
    %swap3A_117 = arith.constant 56 : index
    %swap3A_118 = arith.constant 192 : index
    %swap3A_119 = vector.load %arg4[%swap3A_115, %swap3A_116, %swap3A_117, %swap3A_118] : memref<1x57x57x256xf32, #tpu.memory_space<vmem>>, vector<1x57x1x64xf32>
    %swap3A_120 = vector.shape_cast %swap3A_119 : vector<1x57x1x64xf32> to vector<57x1x64xf32>
    %swap3A_121 = vector.shape_cast %broadcast_in_dim3A_114 : vector<57x1x64xf32> to vector<1x57x1x64xf32>
    tpu.vector_store %arg4[%swap3A_115, %swap3A_116, %swap3A_117, %swap3A_118], %swap3A_121 {strides = array<i32>} : memref<1x57x57x256xf32, #tpu.memory_space<vmem>>, vector<1x57x1x64xf32>,
    return
  }
  func.func @transform_0(%arg0: i32) -> (i32, i32, i32, i32) {
    %c0_i32 = arith.constant 0 : i32
    %c0_i32_0 = arith.constant 0 : i32
    %c0_i32_1 = arith.constant 0 : i32
    %c0_i32_2 = arith.constant 0 : i32
    return %arg0, %c0_i32, %c0_i32_0, %c0_i32_1 : i32, i32, i32, i32
  }
  func.func @transform_1(%arg0: i32) -> (i32, i32, i32) {
    %c0_i32 = arith.constant 0 : i32
    %c0_i32_0 = arith.constant 0 : i32
    %c0_i32_1 = arith.constant 0 : i32
    %c0_i32_2 = arith.constant 0 : i32
    return %c0_i32, %c0_i32_0, %c0_i32_1 : i32, i32, i32
  }
  func.func @transform_2(%arg0: i32) -> (i32, i32) {
    %c0_i32 = arith.constant 0 : i32
    %c0_i32_0 = arith.constant 0 : i32
    %c0_i32_1 = arith.constant 0 : i32
    return %c0_i32, %c0_i32_0 : i32, i32
  }
  func.func @transform_3(%arg0: i32) -> (i32, i32, i32, i32) {
    %c0_i32 = arith.constant 0 : i32
    %c0_i32_0 = arith.constant 0 : i32
    %c0_i32_1 = arith.constant 0 : i32
    %c0_i32_2 = arith.constant 0 : i32
    return %arg0, %c0_i32, %c0_i32_0, %c0_i32_1 : i32, i32, i32, i32
  }
}

module attributes {stable_mosaic.version = 14 : i64} {
  func.func @_conv2_vq_body(%arg0: i32, %arg1: memref<1x57x57x256xf32, #tpu.memory_space<vmem>>, %arg2: memref<4x256x64xf32, #tpu.memory_space<vmem>>, %arg3: memref<1x64xf32, #tpu.memory_space<vmem>>, %arg4: memref<1024x64xf32, #tpu.memory_space<vmem>>, %arg5: memref<1x64x3136xf32, #tpu.memory_space<vmem>>, %arg6: memref<1x1x3136xi32, #tpu.memory_space<vmem>>) attributes {dimension_semantics = [#tpu.dimension_semantics<arbitrary>], iteration_bounds = array<i64: 8>, scalar_prefetch = 0 : i64, scratch_operands = 0 : i64, tpu.core_type = #tpu.core_type<tc>, window_params = [{transform_indices = @transform_0, window_bounds = array<i64: 1, 57, 57, 256>}, {pipeline_mode = #tpu.pipeline_mode<synchronous>, transform_indices = @transform_1, window_bounds = array<i64: 4, 256, 64>}, {pipeline_mode = #tpu.pipeline_mode<synchronous>, transform_indices = @transform_2, window_bounds = array<i64: 1, 64>}, {pipeline_mode = #tpu.pipeline_mode<synchronous>, transform_indices = @transform_3, window_bounds = array<i64: 1024, 64>}, {transform_indices = @transform_4, window_bounds = array<i64: 1, 64, 3136>}, {transform_indices = @transform_5, window_bounds = array<i64: 1, 1, 3136>}]} {
    %get3A = arith.constant 0 : index
    %get3A_0 = arith.constant 0 : index
    %get3A_1 = arith.constant 0 : index
    %get3A_2 = arith.constant 0 : index
    %get3A_3 = vector.load %arg1[%get3A, %get3A_0, %get3A_1, %get3A_2] : memref<1x57x57x256xf32, #tpu.memory_space<vmem>>, vector<1x56x56x256xf32>
    %get3A_4 = vector.shape_cast %get3A_3 : vector<1x56x56x256xf32> to vector<56x56x256xf32>
    %reshape3A = vector.shape_cast %get3A_4 : vector<56x56x256xf32> to vector<3136x256xf32>
    %get3A_5 = arith.constant 0 : index
    %get3A_6 = arith.constant 0 : index
    %get3A_7 = arith.constant 0 : index
    %get3A_8 = vector.load %arg2[%get3A_5, %get3A_6, %get3A_7] : memref<4x256x64xf32, #tpu.memory_space<vmem>>, vector<1x256x64xf32>
    %get3A_9 = vector.shape_cast %get3A_8 : vector<1x256x64xf32> to vector<256x64xf32>
    %dot_general3A = arith.constant dense<0.000000e+00> : vector<3136x64xf32>
    %dot_general3A_10 = tpu.matmul %reshape3A, %get3A_9, %dot_general3A {dimension_numbers = #tpu.dot_dimension_numbers<[1], [0], [0], [1], [0, 0, 1, 1], [], []>, transpose_lhs_hint = false} : vector<3136x256xf32>, vector<256x64xf32>, vector<3136x64xf32> -> vector<3136x64xf32>
    %get3A_11 = arith.constant 0 : index
    %get3A_12 = arith.constant 0 : index
    %get3A_13 = arith.constant 1 : index
    %get3A_14 = arith.constant 0 : index
    %get3A_15 = vector.load %arg1[%get3A_11, %get3A_12, %get3A_13, %get3A_14] : memref<1x57x57x256xf32, #tpu.memory_space<vmem>>, vector<1x56x56x256xf32>
    %get3A_16 = vector.shape_cast %get3A_15 : vector<1x56x56x256xf32> to vector<56x56x256xf32>
    %reshape3A_17 = vector.shape_cast %get3A_16 : vector<56x56x256xf32> to vector<3136x256xf32>
    %get3A_18 = arith.constant 1 : index
    %get3A_19 = arith.constant 0 : index
    %get3A_20 = arith.constant 0 : index
    %get3A_21 = vector.load %arg2[%get3A_18, %get3A_19, %get3A_20] : memref<4x256x64xf32, #tpu.memory_space<vmem>>, vector<1x256x64xf32>
    %get3A_22 = vector.shape_cast %get3A_21 : vector<1x256x64xf32> to vector<256x64xf32>
    %dot_general3A_23 = arith.constant dense<0.000000e+00> : vector<3136x64xf32>
    %dot_general3A_24 = tpu.matmul %reshape3A_17, %get3A_22, %dot_general3A_23 {dimension_numbers = #tpu.dot_dimension_numbers<[1], [0], [0], [1], [0, 0, 1, 1], [], []>, transpose_lhs_hint = false} : vector<3136x256xf32>, vector<256x64xf32>, vector<3136x64xf32> -> vector<3136x64xf32>
    %add3A = arith.addf %dot_general3A_10, %dot_general3A_24 : vector<3136x64xf32>
    %get3A_25 = arith.constant 0 : index
    %get3A_26 = arith.constant 1 : index
    %get3A_27 = arith.constant 0 : index
    %get3A_28 = arith.constant 0 : index
    %get3A_29 = vector.load %arg1[%get3A_25, %get3A_26, %get3A_27, %get3A_28] : memref<1x57x57x256xf32, #tpu.memory_space<vmem>>, vector<1x56x56x256xf32>
    %get3A_30 = vector.shape_cast %get3A_29 : vector<1x56x56x256xf32> to vector<56x56x256xf32>
    %reshape3A_31 = vector.shape_cast %get3A_30 : vector<56x56x256xf32> to vector<3136x256xf32>
    %get3A_32 = arith.constant 2 : index
    %get3A_33 = arith.constant 0 : index
    %get3A_34 = arith.constant 0 : index
    %get3A_35 = vector.load %arg2[%get3A_32, %get3A_33, %get3A_34] : memref<4x256x64xf32, #tpu.memory_space<vmem>>, vector<1x256x64xf32>
    %get3A_36 = vector.shape_cast %get3A_35 : vector<1x256x64xf32> to vector<256x64xf32>
    %dot_general3A_37 = arith.constant dense<0.000000e+00> : vector<3136x64xf32>
    %dot_general3A_38 = tpu.matmul %reshape3A_31, %get3A_36, %dot_general3A_37 {dimension_numbers = #tpu.dot_dimension_numbers<[1], [0], [0], [1], [0, 0, 1, 1], [], []>, transpose_lhs_hint = false} : vector<3136x256xf32>, vector<256x64xf32>, vector<3136x64xf32> -> vector<3136x64xf32>
    %add3A_39 = arith.addf %add3A, %dot_general3A_38 : vector<3136x64xf32>
    %get3A_40 = arith.constant 0 : index
    %get3A_41 = arith.constant 1 : index
    %get3A_42 = arith.constant 1 : index
    %get3A_43 = arith.constant 0 : index
    %get3A_44 = vector.load %arg1[%get3A_40, %get3A_41, %get3A_42, %get3A_43] : memref<1x57x57x256xf32, #tpu.memory_space<vmem>>, vector<1x56x56x256xf32>
    %get3A_45 = vector.shape_cast %get3A_44 : vector<1x56x56x256xf32> to vector<56x56x256xf32>
    %reshape3A_46 = vector.shape_cast %get3A_45 : vector<56x56x256xf32> to vector<3136x256xf32>
    %get3A_47 = arith.constant 3 : index
    %get3A_48 = arith.constant 0 : index
    %get3A_49 = arith.constant 0 : index
    %get3A_50 = vector.load %arg2[%get3A_47, %get3A_48, %get3A_49] : memref<4x256x64xf32, #tpu.memory_space<vmem>>, vector<1x256x64xf32>
    %get3A_51 = vector.shape_cast %get3A_50 : vector<1x256x64xf32> to vector<256x64xf32>
    %dot_general3A_52 = arith.constant dense<0.000000e+00> : vector<3136x64xf32>
    %dot_general3A_53 = tpu.matmul %reshape3A_46, %get3A_51, %dot_general3A_52 {dimension_numbers = #tpu.dot_dimension_numbers<[1], [0], [0], [1], [0, 0, 1, 1], [], []>, transpose_lhs_hint = false} : vector<3136x256xf32>, vector<256x64xf32>, vector<3136x64xf32> -> vector<3136x64xf32>
    %add3A_54 = arith.addf %add3A_39, %dot_general3A_53 : vector<3136x64xf32>
    %get3A_55 = arith.constant 0 : index
    %get3A_56 = arith.constant 0 : index
    %get3A_57 = vector.load %arg3[%get3A_55, %get3A_56] : memref<1x64xf32, #tpu.memory_space<vmem>>, vector<1x64xf32>
    %add3A_58 = vector.broadcast %get3A_57 : vector<1x64xf32> to vector<3136x64xf32>
    %add3A_59 = arith.addf %add3A_54, %add3A_58 : vector<3136x64xf32>
    %transpose3A = tpu.transpose %add3A_59, [1, 0] : vector<3136x64xf32> -> vector<64x3136xf32>
    %swap3A = arith.constant 0 : index
    %swap3A_60 = arith.constant 0 : index
    %swap3A_61 = arith.constant 0 : index
    %swap3A_62 = vector.load %arg5[%swap3A, %swap3A_60, %swap3A_61] : memref<1x64x3136xf32, #tpu.memory_space<vmem>>, vector<1x64x3136xf32>
    %swap3A_63 = vector.shape_cast %swap3A_62 : vector<1x64x3136xf32> to vector<64x3136xf32>
    %swap3A_64 = vector.shape_cast %transpose3A : vector<64x3136xf32> to vector<1x64x3136xf32>
    tpu.vector_store %arg5[%swap3A, %swap3A_60, %swap3A_61], %swap3A_64 {strides = array<i32>} : memref<1x64x3136xf32, #tpu.memory_space<vmem>>, vector<1x64x3136xf32>,
    %get3A_65 = arith.constant 0 : index
    %get3A_66 = arith.constant 0 : index
    %get3A_67 = vector.load %arg4[%get3A_65, %get3A_66] : memref<1024x64xf32, #tpu.memory_space<vmem>>, vector<1024x64xf32>
    %mul3A = arith.mulf %add3A_59, %add3A_59 : vector<3136x64xf32>
    %reduce_sum3A = arith.constant dense<0.000000e+00> : vector<3136xf32>
    %reduce_sum3A_68 = vector.multi_reduction <add>, %mul3A, %reduce_sum3A [1] : vector<3136x64xf32> to vector<3136xf32>
    %broadcast_in_dim3A = vector.shape_cast %reduce_sum3A_68 : vector<3136xf32> to vector<3136x1xf32>
    %mul3A_69 = arith.mulf %get3A_67, %get3A_67 : vector<1024x64xf32>
    %reduce_sum3A_70 = arith.constant dense<0.000000e+00> : vector<1024xf32>
    %reduce_sum3A_71 = vector.multi_reduction <add>, %mul3A_69, %reduce_sum3A_70 [1] : vector<1024x64xf32> to vector<1024xf32>
    %transpose3A_72 = tpu.transpose %get3A_67, [1, 0] : vector<1024x64xf32> -> vector<64x1024xf32>
    %dot_general3A_73 = arith.constant dense<0.000000e+00> : vector<3136x1024xf32>
    %dot_general3A_74 = tpu.matmul %add3A_59, %transpose3A_72, %dot_general3A_73 {dimension_numbers = #tpu.dot_dimension_numbers<[1], [0], [0], [1], [0, 0, 1, 1], [], []>, transpose_lhs_hint = false} : vector<3136x64xf32>, vector<64x1024xf32>, vector<3136x1024xf32> -> vector<3136x1024xf32>
    %mul3A_75 = arith.constant 2.000000e+00 : f32
    %mul3A_76 = vector.broadcast %mul3A_75 : f32 to vector<3136x1024xf32>
    %mul3A_77 = arith.mulf %mul3A_76, %dot_general3A_74 : vector<3136x1024xf32>
    %sub3A = vector.broadcast %broadcast_in_dim3A : vector<3136x1xf32> to vector<3136x1024xf32>
    %sub3A_78 = arith.subf %sub3A, %mul3A_77 : vector<3136x1024xf32>
    %broadcast_in_dim3A_79 = vector.shape_cast %reduce_sum3A_71 : vector<1024xf32> to vector<1x1024xf32>
    %add3A_80 = vector.broadcast %broadcast_in_dim3A_79 : vector<1x1024xf32> to vector<3136x1024xf32>
    %add3A_81 = arith.addf %sub3A_78, %add3A_80 : vector<3136x1024xf32>
    %reduce_min3A = arith.constant dense<0x7F800000> : vector<3136xf32>
    %reduce_min3A_82 = vector.multi_reduction <minimumf>, %add3A_81, %reduce_min3A [1] : vector<3136x1024xf32> to vector<3136xf32>
    %broadcast_in_dim3A_83 = vector.shape_cast %reduce_min3A_82 : vector<3136xf32> to vector<3136x1xf32>
    %iota3A = tpu.iota {dimensions = array<i32: 1>} : vector<3136x1024xi32>
    %convert_element_type3A = arith.sitofp %iota3A : vector<3136x1024xi32> to vector<3136x1024xf32>
    %le3A = vector.broadcast %broadcast_in_dim3A_83 : vector<3136x1xf32> to vector<3136x1024xf32>
    %le3A_84 = arith.cmpf ole, %add3A_81, %le3A : vector<3136x1024xf32>
    %jit3A = arith.constant 1.024000e+03 : f32
    %broadcast_in_dim3A_85 = vector.broadcast %jit3A : f32 to vector<3136x1024xf32>
    %select_n3A = arith.select %le3A_84, %convert_element_type3A, %broadcast_in_dim3A_85 : vector<3136x1024xi1>, vector<3136x1024xf32>
    %reduce_min3A_86 = arith.constant dense<0x7F800000> : vector<3136xf32>
    %reduce_min3A_87 = vector.multi_reduction <minimumf>, %select_n3A, %reduce_min3A_86 [1] : vector<3136x1024xf32> to vector<3136xf32>
    %min3A = arith.constant 1.023000e+03 : f32
    %min3A_88 = vector.broadcast %min3A : f32 to vector<3136xf32>
    %min3A_89 = arith.minimumf %reduce_min3A_87, %min3A_88 : vector<3136xf32>
    %convert_element_type3A_90 = arith.fptosi %min3A_89 : vector<3136xf32> to vector<3136xi32>
    %swap3A_91 = arith.constant 0 : index
    %swap3A_92 = arith.constant 0 : index
    %swap3A_93 = arith.constant 0 : index
    %swap3A_94 = vector.load %arg6[%swap3A_91, %swap3A_92, %swap3A_93] : memref<1x1x3136xi32, #tpu.memory_space<vmem>>, vector<1x1x3136xi32>
    %swap3A_95 = vector.shape_cast %swap3A_94 : vector<1x1x3136xi32> to vector<3136xi32>
    %swap3A_96 = vector.shape_cast %convert_element_type3A_90 : vector<3136xi32> to vector<1x1x3136xi32>
    tpu.vector_store %arg6[%swap3A_91, %swap3A_92, %swap3A_93], %swap3A_96 {strides = array<i32>} : memref<1x1x3136xi32, #tpu.memory_space<vmem>>, vector<1x1x3136xi32>,
    return
  }
  func.func @transform_0(%arg0: i32) -> (i32, i32, i32, i32) {
    %c0_i32 = arith.constant 0 : i32
    %c0_i32_0 = arith.constant 0 : i32
    %c0_i32_1 = arith.constant 0 : i32
    %c0_i32_2 = arith.constant 0 : i32
    return %arg0, %c0_i32, %c0_i32_0, %c0_i32_1 : i32, i32, i32, i32
  }
  func.func @transform_1(%arg0: i32) -> (i32, i32, i32) {
    %c0_i32 = arith.constant 0 : i32
    %c0_i32_0 = arith.constant 0 : i32
    %c0_i32_1 = arith.constant 0 : i32
    %c0_i32_2 = arith.constant 0 : i32
    return %c0_i32, %c0_i32_0, %c0_i32_1 : i32, i32, i32
  }
  func.func @transform_2(%arg0: i32) -> (i32, i32) {
    %c0_i32 = arith.constant 0 : i32
    %c0_i32_0 = arith.constant 0 : i32
    %c0_i32_1 = arith.constant 0 : i32
    return %c0_i32, %c0_i32_0 : i32, i32
  }
  func.func @transform_3(%arg0: i32) -> (i32, i32) {
    %c0_i32 = arith.constant 0 : i32
    %c0_i32_0 = arith.constant 0 : i32
    %c0_i32_1 = arith.constant 0 : i32
    return %c0_i32, %c0_i32_0 : i32, i32
  }
  func.func @transform_4(%arg0: i32) -> (i32, i32, i32) {
    %c0_i32 = arith.constant 0 : i32
    %c0_i32_0 = arith.constant 0 : i32
    %c0_i32_1 = arith.constant 0 : i32
    return %arg0, %c0_i32, %c0_i32_0 : i32, i32, i32
  }
  func.func @transform_5(%arg0: i32) -> (i32, i32, i32) {
    %c0_i32 = arith.constant 0 : i32
    %c0_i32_0 = arith.constant 0 : i32
    %c0_i32_1 = arith.constant 0 : i32
    return %arg0, %c0_i32, %c0_i32_0 : i32, i32, i32
  }
}

module attributes {stable_mosaic.version = 14 : i64} {
  func.func @_qprep_body(%arg0: i32, %arg1: memref<1x3136x128xf32, #tpu.memory_space<vmem>>, %arg2: memref<1x64x3136xf32, #tpu.memory_space<vmem>>, %arg3: memref<1x58x58x64xf32, #tpu.memory_space<vmem>>) attributes {dimension_semantics = [#tpu.dimension_semantics<arbitrary>], iteration_bounds = array<i64: 8>, scalar_prefetch = 0 : i64, scratch_operands = 0 : i64, tpu.core_type = #tpu.core_type<tc>, window_params = [{transform_indices = @transform_0, window_bounds = array<i64: 1, 3136, 128>}, {transform_indices = @transform_1, window_bounds = array<i64: 1, 64, 3136>}, {transform_indices = @transform_2, window_bounds = array<i64: 1, 58, 58, 64>}]} {
    %get3A = arith.constant 0 : index
    %get3A_0 = arith.constant 0 : index
    %get3A_1 = arith.constant 0 : index
    %get3A_2 = vector.load %arg1[%get3A, %get3A_0, %get3A_1] : memref<1x3136x128xf32, #tpu.memory_space<vmem>>, vector<1x3136x128xf32>
    %get3A_3 = vector.shape_cast %get3A_2 : vector<1x3136x128xf32> to vector<3136x128xf32>
    %slice3A = vector.extract_strided_slice %get3A_3 {offsets = [0, 0], sizes = [3136, 64], strides = [1, 1]} : vector<3136x128xf32> to vector<3136x64xf32>
    %transpose3A = tpu.transpose %slice3A, [1, 0] : vector<3136x64xf32> -> vector<64x3136xf32>
    %swap3A = arith.constant 0 : index
    %swap3A_4 = arith.constant 0 : index
    %swap3A_5 = arith.constant 0 : index
    %swap3A_6 = vector.load %arg2[%swap3A, %swap3A_4, %swap3A_5] : memref<1x64x3136xf32, #tpu.memory_space<vmem>>, vector<1x64x3136xf32>
    %swap3A_7 = vector.shape_cast %swap3A_6 : vector<1x64x3136xf32> to vector<64x3136xf32>
    %swap3A_8 = vector.shape_cast %transpose3A : vector<64x3136xf32> to vector<1x64x3136xf32>
    tpu.vector_store %arg2[%swap3A, %swap3A_4, %swap3A_5], %swap3A_8 {strides = array<i32>} : memref<1x64x3136xf32, #tpu.memory_space<vmem>>, vector<1x64x3136xf32>,
    %reshape3A = vector.shape_cast %slice3A : vector<3136x64xf32> to vector<56x56x64xf32>
    %swap3A_9 = arith.constant 0 : index
    %swap3A_10 = arith.constant 1 : index
    %swap3A_11 = arith.constant 1 : index
    %swap3A_12 = arith.constant 0 : index
    %swap3A_13 = vector.load %arg3[%swap3A_9, %swap3A_10, %swap3A_11, %swap3A_12] : memref<1x58x58x64xf32, #tpu.memory_space<vmem>>, vector<1x56x56x64xf32>
    %swap3A_14 = vector.shape_cast %swap3A_13 : vector<1x56x56x64xf32> to vector<56x56x64xf32>
    %swap3A_15 = vector.shape_cast %reshape3A : vector<56x56x64xf32> to vector<1x56x56x64xf32>
    tpu.vector_store %arg3[%swap3A_9, %swap3A_10, %swap3A_11, %swap3A_12], %swap3A_15 {strides = array<i32>} : memref<1x58x58x64xf32, #tpu.memory_space<vmem>>, vector<1x56x56x64xf32>,
    %broadcast_in_dim3A = arith.constant 0.000000e+00 : f32
    %broadcast_in_dim3A_16 = vector.broadcast %broadcast_in_dim3A : f32 to vector<1x58x64xf32>
    %swap3A_17 = arith.constant 0 : index
    %swap3A_18 = arith.constant 0 : index
    %swap3A_19 = arith.constant 0 : index
    %swap3A_20 = arith.constant 0 : index
    %swap3A_21 = vector.load %arg3[%swap3A_17, %swap3A_18, %swap3A_19, %swap3A_20] : memref<1x58x58x64xf32, #tpu.memory_space<vmem>>, vector<1x1x58x64xf32>
    %swap3A_22 = vector.shape_cast %swap3A_21 : vector<1x1x58x64xf32> to vector<1x58x64xf32>
    %swap3A_23 = vector.shape_cast %broadcast_in_dim3A_16 : vector<1x58x64xf32> to vector<1x1x58x64xf32>
    tpu.vector_store %arg3[%swap3A_17, %swap3A_18, %swap3A_19, %swap3A_20], %swap3A_23 {strides = array<i32>} : memref<1x58x58x64xf32, #tpu.memory_space<vmem>>, vector<1x1x58x64xf32>,
    %broadcast_in_dim3A_24 = arith.constant 0.000000e+00 : f32
    %broadcast_in_dim3A_25 = vector.broadcast %broadcast_in_dim3A_24 : f32 to vector<1x58x64xf32>
    %swap3A_26 = arith.constant 0 : index
    %swap3A_27 = arith.constant 57 : index
    %swap3A_28 = arith.constant 0 : index
    %swap3A_29 = arith.constant 0 : index
    %swap3A_30 = vector.load %arg3[%swap3A_26, %swap3A_27, %swap3A_28, %swap3A_29] : memref<1x58x58x64xf32, #tpu.memory_space<vmem>>, vector<1x1x58x64xf32>
    %swap3A_31 = vector.shape_cast %swap3A_30 : vector<1x1x58x64xf32> to vector<1x58x64xf32>
    %swap3A_32 = vector.shape_cast %broadcast_in_dim3A_25 : vector<1x58x64xf32> to vector<1x1x58x64xf32>
    tpu.vector_store %arg3[%swap3A_26, %swap3A_27, %swap3A_28, %swap3A_29], %swap3A_32 {strides = array<i32>} : memref<1x58x58x64xf32, #tpu.memory_space<vmem>>, vector<1x1x58x64xf32>,
    %broadcast_in_dim3A_33 = arith.constant 0.000000e+00 : f32
    %broadcast_in_dim3A_34 = vector.broadcast %broadcast_in_dim3A_33 : f32 to vector<56x1x64xf32>
    %swap3A_35 = arith.constant 0 : index
    %swap3A_36 = arith.constant 1 : index
    %swap3A_37 = arith.constant 0 : index
    %swap3A_38 = arith.constant 0 : index
    %swap3A_39 = vector.load %arg3[%swap3A_35, %swap3A_36, %swap3A_37, %swap3A_38] : memref<1x58x58x64xf32, #tpu.memory_space<vmem>>, vector<1x56x1x64xf32>
    %swap3A_40 = vector.shape_cast %swap3A_39 : vector<1x56x1x64xf32> to vector<56x1x64xf32>
    %swap3A_41 = vector.shape_cast %broadcast_in_dim3A_34 : vector<56x1x64xf32> to vector<1x56x1x64xf32>
    tpu.vector_store %arg3[%swap3A_35, %swap3A_36, %swap3A_37, %swap3A_38], %swap3A_41 {strides = array<i32>} : memref<1x58x58x64xf32, #tpu.memory_space<vmem>>, vector<1x56x1x64xf32>,
    %broadcast_in_dim3A_42 = arith.constant 0.000000e+00 : f32
    %broadcast_in_dim3A_43 = vector.broadcast %broadcast_in_dim3A_42 : f32 to vector<56x1x64xf32>
    %swap3A_44 = arith.constant 0 : index
    %swap3A_45 = arith.constant 1 : index
    %swap3A_46 = arith.constant 57 : index
    %swap3A_47 = arith.constant 0 : index
    %swap3A_48 = vector.load %arg3[%swap3A_44, %swap3A_45, %swap3A_46, %swap3A_47] : memref<1x58x58x64xf32, #tpu.memory_space<vmem>>, vector<1x56x1x64xf32>
    %swap3A_49 = vector.shape_cast %swap3A_48 : vector<1x56x1x64xf32> to vector<56x1x64xf32>
    %swap3A_50 = vector.shape_cast %broadcast_in_dim3A_43 : vector<56x1x64xf32> to vector<1x56x1x64xf32>
    tpu.vector_store %arg3[%swap3A_44, %swap3A_45, %swap3A_46, %swap3A_47], %swap3A_50 {strides = array<i32>} : memref<1x58x58x64xf32, #tpu.memory_space<vmem>>, vector<1x56x1x64xf32>,
    return
  }
  func.func @transform_0(%arg0: i32) -> (i32, i32, i32) {
    %c0_i32 = arith.constant 0 : i32
    %c0_i32_0 = arith.constant 0 : i32
    %c0_i32_1 = arith.constant 0 : i32
    return %arg0, %c0_i32, %c0_i32_0 : i32, i32, i32
  }
  func.func @transform_1(%arg0: i32) -> (i32, i32, i32) {
    %c0_i32 = arith.constant 0 : i32
    %c0_i32_0 = arith.constant 0 : i32
    %c0_i32_1 = arith.constant 0 : i32
    return %arg0, %c0_i32, %c0_i32_0 : i32, i32, i32
  }
  func.func @transform_2(%arg0: i32) -> (i32, i32, i32, i32) {
    %c0_i32 = arith.constant 0 : i32
    %c0_i32_0 = arith.constant 0 : i32
    %c0_i32_1 = arith.constant 0 : i32
    %c0_i32_2 = arith.constant 0 : i32
    return %arg0, %c0_i32, %c0_i32_0, %c0_i32_1 : i32, i32, i32, i32
  }
}

module attributes {stable_mosaic.version = 14 : i64} {
  func.func @_tap_conv_body(%arg0: i32, %arg1: memref<1x58x58x64xf32, #tpu.memory_space<vmem>>, %arg2: memref<9x64x256xf32, #tpu.memory_space<vmem>>, %arg3: memref<1x256xf32, #tpu.memory_space<vmem>>, %arg4: memref<1x58x58x256xf32, #tpu.memory_space<vmem>>) attributes {dimension_semantics = [#tpu.dimension_semantics<arbitrary>], iteration_bounds = array<i64: 8>, scalar_prefetch = 0 : i64, scratch_operands = 0 : i64, tpu.core_type = #tpu.core_type<tc>, window_params = [{transform_indices = @transform_0, window_bounds = array<i64: 1, 58, 58, 64>}, {pipeline_mode = #tpu.pipeline_mode<synchronous>, transform_indices = @transform_1, window_bounds = array<i64: 9, 64, 256>}, {pipeline_mode = #tpu.pipeline_mode<synchronous>, transform_indices = @transform_2, window_bounds = array<i64: 1, 256>}, {transform_indices = @transform_3, window_bounds = array<i64: 1, 58, 58, 256>}]} {
    %get3A = arith.constant 0 : index
    %get3A_0 = arith.constant 0 : index
    %get3A_1 = arith.constant 0 : index
    %get3A_2 = arith.constant 0 : index
    %get3A_3 = vector.load %arg1[%get3A, %get3A_0, %get3A_1, %get3A_2] : memref<1x58x58x64xf32, #tpu.memory_space<vmem>>, vector<1x56x56x64xf32>
    %get3A_4 = vector.shape_cast %get3A_3 : vector<1x56x56x64xf32> to vector<56x56x64xf32>
    %reshape3A = vector.shape_cast %get3A_4 : vector<56x56x64xf32> to vector<3136x64xf32>
    %get3A_5 = arith.constant 0 : index
    %get3A_6 = arith.constant 0 : index
    %get3A_7 = arith.constant 0 : index
    %get3A_8 = vector.load %arg2[%get3A_5, %get3A_6, %get3A_7] : memref<9x64x256xf32, #tpu.memory_space<vmem>>, vector<1x64x256xf32>
    %get3A_9 = vector.shape_cast %get3A_8 : vector<1x64x256xf32> to vector<64x256xf32>
    %dot_general3A = arith.constant dense<0.000000e+00> : vector<3136x256xf32>
    %dot_general3A_10 = tpu.matmul %reshape3A, %get3A_9, %dot_general3A {dimension_numbers = #tpu.dot_dimension_numbers<[1], [0], [0], [1], [0, 0, 1, 1], [], []>, transpose_lhs_hint = false} : vector<3136x64xf32>, vector<64x256xf32>, vector<3136x256xf32> -> vector<3136x256xf32>
    %get3A_11 = arith.constant 0 : index
    %get3A_12 = arith.constant 0 : index
    %get3A_13 = arith.constant 1 : index
    %get3A_14 = arith.constant 0 : index
    %get3A_15 = vector.load %arg1[%get3A_11, %get3A_12, %get3A_13, %get3A_14] : memref<1x58x58x64xf32, #tpu.memory_space<vmem>>, vector<1x56x56x64xf32>
    %get3A_16 = vector.shape_cast %get3A_15 : vector<1x56x56x64xf32> to vector<56x56x64xf32>
    %reshape3A_17 = vector.shape_cast %get3A_16 : vector<56x56x64xf32> to vector<3136x64xf32>
    %get3A_18 = arith.constant 1 : index
    %get3A_19 = arith.constant 0 : index
    %get3A_20 = arith.constant 0 : index
    %get3A_21 = vector.load %arg2[%get3A_18, %get3A_19, %get3A_20] : memref<9x64x256xf32, #tpu.memory_space<vmem>>, vector<1x64x256xf32>
    %get3A_22 = vector.shape_cast %get3A_21 : vector<1x64x256xf32> to vector<64x256xf32>
    %dot_general3A_23 = arith.constant dense<0.000000e+00> : vector<3136x256xf32>
    %dot_general3A_24 = tpu.matmul %reshape3A_17, %get3A_22, %dot_general3A_23 {dimension_numbers = #tpu.dot_dimension_numbers<[1], [0], [0], [1], [0, 0, 1, 1], [], []>, transpose_lhs_hint = false} : vector<3136x64xf32>, vector<64x256xf32>, vector<3136x256xf32> -> vector<3136x256xf32>
    %add3A = arith.addf %dot_general3A_10, %dot_general3A_24 : vector<3136x256xf32>
    %get3A_25 = arith.constant 0 : index
    %get3A_26 = arith.constant 0 : index
    %get3A_27 = arith.constant 2 : index
    %get3A_28 = arith.constant 0 : index
    %get3A_29 = vector.load %arg1[%get3A_25, %get3A_26, %get3A_27, %get3A_28] : memref<1x58x58x64xf32, #tpu.memory_space<vmem>>, vector<1x56x56x64xf32>
    %get3A_30 = vector.shape_cast %get3A_29 : vector<1x56x56x64xf32> to vector<56x56x64xf32>
    %reshape3A_31 = vector.shape_cast %get3A_30 : vector<56x56x64xf32> to vector<3136x64xf32>
    %get3A_32 = arith.constant 2 : index
    %get3A_33 = arith.constant 0 : index
    %get3A_34 = arith.constant 0 : index
    %get3A_35 = vector.load %arg2[%get3A_32, %get3A_33, %get3A_34] : memref<9x64x256xf32, #tpu.memory_space<vmem>>, vector<1x64x256xf32>
    %get3A_36 = vector.shape_cast %get3A_35 : vector<1x64x256xf32> to vector<64x256xf32>
    %dot_general3A_37 = arith.constant dense<0.000000e+00> : vector<3136x256xf32>
    %dot_general3A_38 = tpu.matmul %reshape3A_31, %get3A_36, %dot_general3A_37 {dimension_numbers = #tpu.dot_dimension_numbers<[1], [0], [0], [1], [0, 0, 1, 1], [], []>, transpose_lhs_hint = false} : vector<3136x64xf32>, vector<64x256xf32>, vector<3136x256xf32> -> vector<3136x256xf32>
    %add3A_39 = arith.addf %add3A, %dot_general3A_38 : vector<3136x256xf32>
    %get3A_40 = arith.constant 0 : index
    %get3A_41 = arith.constant 1 : index
    %get3A_42 = arith.constant 0 : index
    %get3A_43 = arith.constant 0 : index
    %get3A_44 = vector.load %arg1[%get3A_40, %get3A_41, %get3A_42, %get3A_43] : memref<1x58x58x64xf32, #tpu.memory_space<vmem>>, vector<1x56x56x64xf32>
    %get3A_45 = vector.shape_cast %get3A_44 : vector<1x56x56x64xf32> to vector<56x56x64xf32>
    %reshape3A_46 = vector.shape_cast %get3A_45 : vector<56x56x64xf32> to vector<3136x64xf32>
    %get3A_47 = arith.constant 3 : index
    %get3A_48 = arith.constant 0 : index
    %get3A_49 = arith.constant 0 : index
    %get3A_50 = vector.load %arg2[%get3A_47, %get3A_48, %get3A_49] : memref<9x64x256xf32, #tpu.memory_space<vmem>>, vector<1x64x256xf32>
    %get3A_51 = vector.shape_cast %get3A_50 : vector<1x64x256xf32> to vector<64x256xf32>
    %dot_general3A_52 = arith.constant dense<0.000000e+00> : vector<3136x256xf32>
    %dot_general3A_53 = tpu.matmul %reshape3A_46, %get3A_51, %dot_general3A_52 {dimension_numbers = #tpu.dot_dimension_numbers<[1], [0], [0], [1], [0, 0, 1, 1], [], []>, transpose_lhs_hint = false} : vector<3136x64xf32>, vector<64x256xf32>, vector<3136x256xf32> -> vector<3136x256xf32>
    %add3A_54 = arith.addf %add3A_39, %dot_general3A_53 : vector<3136x256xf32>
    %get3A_55 = arith.constant 0 : index
    %get3A_56 = arith.constant 1 : index
    %get3A_57 = arith.constant 1 : index
    %get3A_58 = arith.constant 0 : index
    %get3A_59 = vector.load %arg1[%get3A_55, %get3A_56, %get3A_57, %get3A_58] : memref<1x58x58x64xf32, #tpu.memory_space<vmem>>, vector<1x56x56x64xf32>
    %get3A_60 = vector.shape_cast %get3A_59 : vector<1x56x56x64xf32> to vector<56x56x64xf32>
    %reshape3A_61 = vector.shape_cast %get3A_60 : vector<56x56x64xf32> to vector<3136x64xf32>
    %get3A_62 = arith.constant 4 : index
    %get3A_63 = arith.constant 0 : index
    %get3A_64 = arith.constant 0 : index
    %get3A_65 = vector.load %arg2[%get3A_62, %get3A_63, %get3A_64] : memref<9x64x256xf32, #tpu.memory_space<vmem>>, vector<1x64x256xf32>
    %get3A_66 = vector.shape_cast %get3A_65 : vector<1x64x256xf32> to vector<64x256xf32>
    %dot_general3A_67 = arith.constant dense<0.000000e+00> : vector<3136x256xf32>
    %dot_general3A_68 = tpu.matmul %reshape3A_61, %get3A_66, %dot_general3A_67 {dimension_numbers = #tpu.dot_dimension_numbers<[1], [0], [0], [1], [0, 0, 1, 1], [], []>, transpose_lhs_hint = false} : vector<3136x64xf32>, vector<64x256xf32>, vector<3136x256xf32> -> vector<3136x256xf32>
    %add3A_69 = arith.addf %add3A_54, %dot_general3A_68 : vector<3136x256xf32>
    %get3A_70 = arith.constant 0 : index
    %get3A_71 = arith.constant 1 : index
    %get3A_72 = arith.constant 2 : index
    %get3A_73 = arith.constant 0 : index
    %get3A_74 = vector.load %arg1[%get3A_70, %get3A_71, %get3A_72, %get3A_73] : memref<1x58x58x64xf32, #tpu.memory_space<vmem>>, vector<1x56x56x64xf32>
    %get3A_75 = vector.shape_cast %get3A_74 : vector<1x56x56x64xf32> to vector<56x56x64xf32>
    %reshape3A_76 = vector.shape_cast %get3A_75 : vector<56x56x64xf32> to vector<3136x64xf32>
    %get3A_77 = arith.constant 5 : index
    %get3A_78 = arith.constant 0 : index
    %get3A_79 = arith.constant 0 : index
    %get3A_80 = vector.load %arg2[%get3A_77, %get3A_78, %get3A_79] : memref<9x64x256xf32, #tpu.memory_space<vmem>>, vector<1x64x256xf32>
    %get3A_81 = vector.shape_cast %get3A_80 : vector<1x64x256xf32> to vector<64x256xf32>
    %dot_general3A_82 = arith.constant dense<0.000000e+00> : vector<3136x256xf32>
    %dot_general3A_83 = tpu.matmul %reshape3A_76, %get3A_81, %dot_general3A_82 {dimension_numbers = #tpu.dot_dimension_numbers<[1], [0], [0], [1], [0, 0, 1, 1], [], []>, transpose_lhs_hint = false} : vector<3136x64xf32>, vector<64x256xf32>, vector<3136x256xf32> -> vector<3136x256xf32>
    %add3A_84 = arith.addf %add3A_69, %dot_general3A_83 : vector<3136x256xf32>
    %get3A_85 = arith.constant 0 : index
    %get3A_86 = arith.constant 2 : index
    %get3A_87 = arith.constant 0 : index
    %get3A_88 = arith.constant 0 : index
    %get3A_89 = vector.load %arg1[%get3A_85, %get3A_86, %get3A_87, %get3A_88] : memref<1x58x58x64xf32, #tpu.memory_space<vmem>>, vector<1x56x56x64xf32>
    %get3A_90 = vector.shape_cast %get3A_89 : vector<1x56x56x64xf32> to vector<56x56x64xf32>
    %reshape3A_91 = vector.shape_cast %get3A_90 : vector<56x56x64xf32> to vector<3136x64xf32>
    %get3A_92 = arith.constant 6 : index
    %get3A_93 = arith.constant 0 : index
    %get3A_94 = arith.constant 0 : index
    %get3A_95 = vector.load %arg2[%get3A_92, %get3A_93, %get3A_94] : memref<9x64x256xf32, #tpu.memory_space<vmem>>, vector<1x64x256xf32>
    %get3A_96 = vector.shape_cast %get3A_95 : vector<1x64x256xf32> to vector<64x256xf32>
    %dot_general3A_97 = arith.constant dense<0.000000e+00> : vector<3136x256xf32>
    %dot_general3A_98 = tpu.matmul %reshape3A_91, %get3A_96, %dot_general3A_97 {dimension_numbers = #tpu.dot_dimension_numbers<[1], [0], [0], [1], [0, 0, 1, 1], [], []>, transpose_lhs_hint = false} : vector<3136x64xf32>, vector<64x256xf32>, vector<3136x256xf32> -> vector<3136x256xf32>
    %add3A_99 = arith.addf %add3A_84, %dot_general3A_98 : vector<3136x256xf32>
    %get3A_100 = arith.constant 0 : index
    %get3A_101 = arith.constant 2 : index
    %get3A_102 = arith.constant 1 : index
    %get3A_103 = arith.constant 0 : index
    %get3A_104 = vector.load %arg1[%get3A_100, %get3A_101, %get3A_102, %get3A_103] : memref<1x58x58x64xf32, #tpu.memory_space<vmem>>, vector<1x56x56x64xf32>
    %get3A_105 = vector.shape_cast %get3A_104 : vector<1x56x56x64xf32> to vector<56x56x64xf32>
    %reshape3A_106 = vector.shape_cast %get3A_105 : vector<56x56x64xf32> to vector<3136x64xf32>
    %get3A_107 = arith.constant 7 : index
    %get3A_108 = arith.constant 0 : index
    %get3A_109 = arith.constant 0 : index
    %get3A_110 = vector.load %arg2[%get3A_107, %get3A_108, %get3A_109] : memref<9x64x256xf32, #tpu.memory_space<vmem>>, vector<1x64x256xf32>
    %get3A_111 = vector.shape_cast %get3A_110 : vector<1x64x256xf32> to vector<64x256xf32>
    %dot_general3A_112 = arith.constant dense<0.000000e+00> : vector<3136x256xf32>
    %dot_general3A_113 = tpu.matmul %reshape3A_106, %get3A_111, %dot_general3A_112 {dimension_numbers = #tpu.dot_dimension_numbers<[1], [0], [0], [1], [0, 0, 1, 1], [], []>, transpose_lhs_hint = false} : vector<3136x64xf32>, vector<64x256xf32>, vector<3136x256xf32> -> vector<3136x256xf32>
    %add3A_114 = arith.addf %add3A_99, %dot_general3A_113 : vector<3136x256xf32>
    %get3A_115 = arith.constant 0 : index
    %get3A_116 = arith.constant 2 : index
    %get3A_117 = arith.constant 2 : index
    %get3A_118 = arith.constant 0 : index
    %get3A_119 = vector.load %arg1[%get3A_115, %get3A_116, %get3A_117, %get3A_118] : memref<1x58x58x64xf32, #tpu.memory_space<vmem>>, vector<1x56x56x64xf32>
    %get3A_120 = vector.shape_cast %get3A_119 : vector<1x56x56x64xf32> to vector<56x56x64xf32>
    %reshape3A_121 = vector.shape_cast %get3A_120 : vector<56x56x64xf32> to vector<3136x64xf32>
    %get3A_122 = arith.constant 8 : index
    %get3A_123 = arith.constant 0 : index
    %get3A_124 = arith.constant 0 : index
    %get3A_125 = vector.load %arg2[%get3A_122, %get3A_123, %get3A_124] : memref<9x64x256xf32, #tpu.memory_space<vmem>>, vector<1x64x256xf32>
    %get3A_126 = vector.shape_cast %get3A_125 : vector<1x64x256xf32> to vector<64x256xf32>
    %dot_general3A_127 = arith.constant dense<0.000000e+00> : vector<3136x256xf32>
    %dot_general3A_128 = tpu.matmul %reshape3A_121, %get3A_126, %dot_general3A_127 {dimension_numbers = #tpu.dot_dimension_numbers<[1], [0], [0], [1], [0, 0, 1, 1], [], []>, transpose_lhs_hint = false} : vector<3136x64xf32>, vector<64x256xf32>, vector<3136x256xf32> -> vector<3136x256xf32>
    %add3A_129 = arith.addf %add3A_114, %dot_general3A_128 : vector<3136x256xf32>
    %get3A_130 = arith.constant 0 : index
    %get3A_131 = arith.constant 0 : index
    %get3A_132 = vector.load %arg3[%get3A_130, %get3A_131] : memref<1x256xf32, #tpu.memory_space<vmem>>, vector<1x256xf32>
    %add3A_133 = vector.broadcast %get3A_132 : vector<1x256xf32> to vector<3136x256xf32>
    %add3A_134 = arith.addf %add3A_129, %add3A_133 : vector<3136x256xf32>
    %max3A = arith.constant 0.000000e+00 : f32
    %max3A_135 = vector.broadcast %max3A : f32 to vector<3136x256xf32>
    %max3A_136 = arith.maximumf %add3A_134, %max3A_135 : vector<3136x256xf32>
    %reshape3A_137 = vector.shape_cast %max3A_136 : vector<3136x256xf32> to vector<56x56x256xf32>
    %swap3A = arith.constant 0 : index
    %swap3A_138 = arith.constant 1 : index
    %swap3A_139 = arith.constant 1 : index
    %swap3A_140 = arith.constant 0 : index
    %swap3A_141 = vector.load %arg4[%swap3A, %swap3A_138, %swap3A_139, %swap3A_140] : memref<1x58x58x256xf32, #tpu.memory_space<vmem>>, vector<1x56x56x256xf32>
    %swap3A_142 = vector.shape_cast %swap3A_141 : vector<1x56x56x256xf32> to vector<56x56x256xf32>
    %swap3A_143 = vector.shape_cast %reshape3A_137 : vector<56x56x256xf32> to vector<1x56x56x256xf32>
    tpu.vector_store %arg4[%swap3A, %swap3A_138, %swap3A_139, %swap3A_140], %swap3A_143 {strides = array<i32>} : memref<1x58x58x256xf32, #tpu.memory_space<vmem>>, vector<1x56x56x256xf32>,
    %broadcast_in_dim3A = arith.constant 0.000000e+00 : f32
    %broadcast_in_dim3A_144 = vector.broadcast %broadcast_in_dim3A : f32 to vector<1x58x256xf32>
    %swap3A_145 = arith.constant 0 : index
    %swap3A_146 = arith.constant 0 : index
    %swap3A_147 = arith.constant 0 : index
    %swap3A_148 = arith.constant 0 : index
    %swap3A_149 = vector.load %arg4[%swap3A_145, %swap3A_146, %swap3A_147, %swap3A_148] : memref<1x58x58x256xf32, #tpu.memory_space<vmem>>, vector<1x1x58x256xf32>
    %swap3A_150 = vector.shape_cast %swap3A_149 : vector<1x1x58x256xf32> to vector<1x58x256xf32>
    %swap3A_151 = vector.shape_cast %broadcast_in_dim3A_144 : vector<1x58x256xf32> to vector<1x1x58x256xf32>
    tpu.vector_store %arg4[%swap3A_145, %swap3A_146, %swap3A_147, %swap3A_148], %swap3A_151 {strides = array<i32>} : memref<1x58x58x256xf32, #tpu.memory_space<vmem>>, vector<1x1x58x256xf32>,
    %broadcast_in_dim3A_152 = arith.constant 0.000000e+00 : f32
    %broadcast_in_dim3A_153 = vector.broadcast %broadcast_in_dim3A_152 : f32 to vector<1x58x256xf32>
    %swap3A_154 = arith.constant 0 : index
    %swap3A_155 = arith.constant 57 : index
    %swap3A_156 = arith.constant 0 : index
    %swap3A_157 = arith.constant 0 : index
    %swap3A_158 = vector.load %arg4[%swap3A_154, %swap3A_155, %swap3A_156, %swap3A_157] : memref<1x58x58x256xf32, #tpu.memory_space<vmem>>, vector<1x1x58x256xf32>
    %swap3A_159 = vector.shape_cast %swap3A_158 : vector<1x1x58x256xf32> to vector<1x58x256xf32>
    %swap3A_160 = vector.shape_cast %broadcast_in_dim3A_153 : vector<1x58x256xf32> to vector<1x1x58x256xf32>
    tpu.vector_store %arg4[%swap3A_154, %swap3A_155, %swap3A_156, %swap3A_157], %swap3A_160 {strides = array<i32>} : memref<1x58x58x256xf32, #tpu.memory_space<vmem>>, vector<1x1x58x256xf32>,
    %broadcast_in_dim3A_161 = arith.constant 0.000000e+00 : f32
    %broadcast_in_dim3A_162 = vector.broadcast %broadcast_in_dim3A_161 : f32 to vector<56x1x256xf32>
    %swap3A_163 = arith.constant 0 : index
    %swap3A_164 = arith.constant 1 : index
    %swap3A_165 = arith.constant 0 : index
    %swap3A_166 = arith.constant 0 : index
    %swap3A_167 = vector.load %arg4[%swap3A_163, %swap3A_164, %swap3A_165, %swap3A_166] : memref<1x58x58x256xf32, #tpu.memory_space<vmem>>, vector<1x56x1x256xf32>
    %swap3A_168 = vector.shape_cast %swap3A_167 : vector<1x56x1x256xf32> to vector<56x1x256xf32>
    %swap3A_169 = vector.shape_cast %broadcast_in_dim3A_162 : vector<56x1x256xf32> to vector<1x56x1x256xf32>
    tpu.vector_store %arg4[%swap3A_163, %swap3A_164, %swap3A_165, %swap3A_166], %swap3A_169 {strides = array<i32>} : memref<1x58x58x256xf32, #tpu.memory_space<vmem>>, vector<1x56x1x256xf32>,
    %broadcast_in_dim3A_170 = arith.constant 0.000000e+00 : f32
    %broadcast_in_dim3A_171 = vector.broadcast %broadcast_in_dim3A_170 : f32 to vector<56x1x256xf32>
    %swap3A_172 = arith.constant 0 : index
    %swap3A_173 = arith.constant 1 : index
    %swap3A_174 = arith.constant 57 : index
    %swap3A_175 = arith.constant 0 : index
    %swap3A_176 = vector.load %arg4[%swap3A_172, %swap3A_173, %swap3A_174, %swap3A_175] : memref<1x58x58x256xf32, #tpu.memory_space<vmem>>, vector<1x56x1x256xf32>
    %swap3A_177 = vector.shape_cast %swap3A_176 : vector<1x56x1x256xf32> to vector<56x1x256xf32>
    %swap3A_178 = vector.shape_cast %broadcast_in_dim3A_171 : vector<56x1x256xf32> to vector<1x56x1x256xf32>
    tpu.vector_store %arg4[%swap3A_172, %swap3A_173, %swap3A_174, %swap3A_175], %swap3A_178 {strides = array<i32>} : memref<1x58x58x256xf32, #tpu.memory_space<vmem>>, vector<1x56x1x256xf32>,
    return
  }
  func.func @transform_0(%arg0: i32) -> (i32, i32, i32, i32) {
    %c0_i32 = arith.constant 0 : i32
    %c0_i32_0 = arith.constant 0 : i32
    %c0_i32_1 = arith.constant 0 : i32
    %c0_i32_2 = arith.constant 0 : i32
    return %arg0, %c0_i32, %c0_i32_0, %c0_i32_1 : i32, i32, i32, i32
  }
  func.func @transform_1(%arg0: i32) -> (i32, i32, i32) {
    %c0_i32 = arith.constant 0 : i32
    %c0_i32_0 = arith.constant 0 : i32
    %c0_i32_1 = arith.constant 0 : i32
    %c0_i32_2 = arith.constant 0 : i32
    return %c0_i32, %c0_i32_0, %c0_i32_1 : i32, i32, i32
  }
  func.func @transform_2(%arg0: i32) -> (i32, i32) {
    %c0_i32 = arith.constant 0 : i32
    %c0_i32_0 = arith.constant 0 : i32
    %c0_i32_1 = arith.constant 0 : i32
    return %c0_i32, %c0_i32_0 : i32, i32
  }
  func.func @transform_3(%arg0: i32) -> (i32, i32, i32, i32) {
    %c0_i32 = arith.constant 0 : i32
    %c0_i32_0 = arith.constant 0 : i32
    %c0_i32_1 = arith.constant 0 : i32
    %c0_i32_2 = arith.constant 0 : i32
    return %arg0, %c0_i32, %c0_i32_0, %c0_i32_1 : i32, i32, i32, i32
  }
}

module attributes {stable_mosaic.version = 14 : i64} {
  func.func @_tap_conv_body(%arg0: i32, %arg1: memref<1x58x58x256xf32, #tpu.memory_space<vmem>>, %arg2: memref<9x256x48xf32, #tpu.memory_space<vmem>>, %arg3: memref<1x48xf32, #tpu.memory_space<vmem>>, %arg4: memref<1x3136x48xf32, #tpu.memory_space<vmem>>) attributes {dimension_semantics = [#tpu.dimension_semantics<arbitrary>], iteration_bounds = array<i64: 8>, scalar_prefetch = 0 : i64, scratch_operands = 0 : i64, tpu.core_type = #tpu.core_type<tc>, window_params = [{transform_indices = @transform_0, window_bounds = array<i64: 1, 58, 58, 256>}, {pipeline_mode = #tpu.pipeline_mode<synchronous>, transform_indices = @transform_1, window_bounds = array<i64: 9, 256, 48>}, {pipeline_mode = #tpu.pipeline_mode<synchronous>, transform_indices = @transform_2, window_bounds = array<i64: 1, 48>}, {transform_indices = @transform_3, window_bounds = array<i64: 1, 3136, 48>}]} {
    %get3A = arith.constant 0 : index
    %get3A_0 = arith.constant 0 : index
    %get3A_1 = arith.constant 0 : index
    %get3A_2 = arith.constant 0 : index
    %get3A_3 = vector.load %arg1[%get3A, %get3A_0, %get3A_1, %get3A_2] : memref<1x58x58x256xf32, #tpu.memory_space<vmem>>, vector<1x56x56x256xf32>
    %get3A_4 = vector.shape_cast %get3A_3 : vector<1x56x56x256xf32> to vector<56x56x256xf32>
    %reshape3A = vector.shape_cast %get3A_4 : vector<56x56x256xf32> to vector<3136x256xf32>
    %get3A_5 = arith.constant 0 : index
    %get3A_6 = arith.constant 0 : index
    %get3A_7 = arith.constant 0 : index
    %get3A_8 = vector.load %arg2[%get3A_5, %get3A_6, %get3A_7] : memref<9x256x48xf32, #tpu.memory_space<vmem>>, vector<1x256x48xf32>
    %get3A_9 = vector.shape_cast %get3A_8 : vector<1x256x48xf32> to vector<256x48xf32>
    %dot_general3A = arith.constant dense<0.000000e+00> : vector<3136x48xf32>
    %dot_general3A_10 = tpu.matmul %reshape3A, %get3A_9, %dot_general3A {dimension_numbers = #tpu.dot_dimension_numbers<[1], [0], [0], [1], [0, 0, 1, 1], [], []>, transpose_lhs_hint = false} : vector<3136x256xf32>, vector<256x48xf32>, vector<3136x48xf32> -> vector<3136x48xf32>
    %get3A_11 = arith.constant 0 : index
    %get3A_12 = arith.constant 0 : index
    %get3A_13 = arith.constant 1 : index
    %get3A_14 = arith.constant 0 : index
    %get3A_15 = vector.load %arg1[%get3A_11, %get3A_12, %get3A_13, %get3A_14] : memref<1x58x58x256xf32, #tpu.memory_space<vmem>>, vector<1x56x56x256xf32>
    %get3A_16 = vector.shape_cast %get3A_15 : vector<1x56x56x256xf32> to vector<56x56x256xf32>
    %reshape3A_17 = vector.shape_cast %get3A_16 : vector<56x56x256xf32> to vector<3136x256xf32>
    %get3A_18 = arith.constant 1 : index
    %get3A_19 = arith.constant 0 : index
    %get3A_20 = arith.constant 0 : index
    %get3A_21 = vector.load %arg2[%get3A_18, %get3A_19, %get3A_20] : memref<9x256x48xf32, #tpu.memory_space<vmem>>, vector<1x256x48xf32>
    %get3A_22 = vector.shape_cast %get3A_21 : vector<1x256x48xf32> to vector<256x48xf32>
    %dot_general3A_23 = arith.constant dense<0.000000e+00> : vector<3136x48xf32>
    %dot_general3A_24 = tpu.matmul %reshape3A_17, %get3A_22, %dot_general3A_23 {dimension_numbers = #tpu.dot_dimension_numbers<[1], [0], [0], [1], [0, 0, 1, 1], [], []>, transpose_lhs_hint = false} : vector<3136x256xf32>, vector<256x48xf32>, vector<3136x48xf32> -> vector<3136x48xf32>
    %add3A = arith.addf %dot_general3A_10, %dot_general3A_24 : vector<3136x48xf32>
    %get3A_25 = arith.constant 0 : index
    %get3A_26 = arith.constant 0 : index
    %get3A_27 = arith.constant 2 : index
    %get3A_28 = arith.constant 0 : index
    %get3A_29 = vector.load %arg1[%get3A_25, %get3A_26, %get3A_27, %get3A_28] : memref<1x58x58x256xf32, #tpu.memory_space<vmem>>, vector<1x56x56x256xf32>
    %get3A_30 = vector.shape_cast %get3A_29 : vector<1x56x56x256xf32> to vector<56x56x256xf32>
    %reshape3A_31 = vector.shape_cast %get3A_30 : vector<56x56x256xf32> to vector<3136x256xf32>
    %get3A_32 = arith.constant 2 : index
    %get3A_33 = arith.constant 0 : index
    %get3A_34 = arith.constant 0 : index
    %get3A_35 = vector.load %arg2[%get3A_32, %get3A_33, %get3A_34] : memref<9x256x48xf32, #tpu.memory_space<vmem>>, vector<1x256x48xf32>
    %get3A_36 = vector.shape_cast %get3A_35 : vector<1x256x48xf32> to vector<256x48xf32>
    %dot_general3A_37 = arith.constant dense<0.000000e+00> : vector<3136x48xf32>
    %dot_general3A_38 = tpu.matmul %reshape3A_31, %get3A_36, %dot_general3A_37 {dimension_numbers = #tpu.dot_dimension_numbers<[1], [0], [0], [1], [0, 0, 1, 1], [], []>, transpose_lhs_hint = false} : vector<3136x256xf32>, vector<256x48xf32>, vector<3136x48xf32> -> vector<3136x48xf32>
    %add3A_39 = arith.addf %add3A, %dot_general3A_38 : vector<3136x48xf32>
    %get3A_40 = arith.constant 0 : index
    %get3A_41 = arith.constant 1 : index
    %get3A_42 = arith.constant 0 : index
    %get3A_43 = arith.constant 0 : index
    %get3A_44 = vector.load %arg1[%get3A_40, %get3A_41, %get3A_42, %get3A_43] : memref<1x58x58x256xf32, #tpu.memory_space<vmem>>, vector<1x56x56x256xf32>
    %get3A_45 = vector.shape_cast %get3A_44 : vector<1x56x56x256xf32> to vector<56x56x256xf32>
    %reshape3A_46 = vector.shape_cast %get3A_45 : vector<56x56x256xf32> to vector<3136x256xf32>
    %get3A_47 = arith.constant 3 : index
    %get3A_48 = arith.constant 0 : index
    %get3A_49 = arith.constant 0 : index
    %get3A_50 = vector.load %arg2[%get3A_47, %get3A_48, %get3A_49] : memref<9x256x48xf32, #tpu.memory_space<vmem>>, vector<1x256x48xf32>
    %get3A_51 = vector.shape_cast %get3A_50 : vector<1x256x48xf32> to vector<256x48xf32>
    %dot_general3A_52 = arith.constant dense<0.000000e+00> : vector<3136x48xf32>
    %dot_general3A_53 = tpu.matmul %reshape3A_46, %get3A_51, %dot_general3A_52 {dimension_numbers = #tpu.dot_dimension_numbers<[1], [0], [0], [1], [0, 0, 1, 1], [], []>, transpose_lhs_hint = false} : vector<3136x256xf32>, vector<256x48xf32>, vector<3136x48xf32> -> vector<3136x48xf32>
    %add3A_54 = arith.addf %add3A_39, %dot_general3A_53 : vector<3136x48xf32>
    %get3A_55 = arith.constant 0 : index
    %get3A_56 = arith.constant 1 : index
    %get3A_57 = arith.constant 1 : index
    %get3A_58 = arith.constant 0 : index
    %get3A_59 = vector.load %arg1[%get3A_55, %get3A_56, %get3A_57, %get3A_58] : memref<1x58x58x256xf32, #tpu.memory_space<vmem>>, vector<1x56x56x256xf32>
    %get3A_60 = vector.shape_cast %get3A_59 : vector<1x56x56x256xf32> to vector<56x56x256xf32>
    %reshape3A_61 = vector.shape_cast %get3A_60 : vector<56x56x256xf32> to vector<3136x256xf32>
    %get3A_62 = arith.constant 4 : index
    %get3A_63 = arith.constant 0 : index
    %get3A_64 = arith.constant 0 : index
    %get3A_65 = vector.load %arg2[%get3A_62, %get3A_63, %get3A_64] : memref<9x256x48xf32, #tpu.memory_space<vmem>>, vector<1x256x48xf32>
    %get3A_66 = vector.shape_cast %get3A_65 : vector<1x256x48xf32> to vector<256x48xf32>
    %dot_general3A_67 = arith.constant dense<0.000000e+00> : vector<3136x48xf32>
    %dot_general3A_68 = tpu.matmul %reshape3A_61, %get3A_66, %dot_general3A_67 {dimension_numbers = #tpu.dot_dimension_numbers<[1], [0], [0], [1], [0, 0, 1, 1], [], []>, transpose_lhs_hint = false} : vector<3136x256xf32>, vector<256x48xf32>, vector<3136x48xf32> -> vector<3136x48xf32>
    %add3A_69 = arith.addf %add3A_54, %dot_general3A_68 : vector<3136x48xf32>
    %get3A_70 = arith.constant 0 : index
    %get3A_71 = arith.constant 1 : index
    %get3A_72 = arith.constant 2 : index
    %get3A_73 = arith.constant 0 : index
    %get3A_74 = vector.load %arg1[%get3A_70, %get3A_71, %get3A_72, %get3A_73] : memref<1x58x58x256xf32, #tpu.memory_space<vmem>>, vector<1x56x56x256xf32>
    %get3A_75 = vector.shape_cast %get3A_74 : vector<1x56x56x256xf32> to vector<56x56x256xf32>
    %reshape3A_76 = vector.shape_cast %get3A_75 : vector<56x56x256xf32> to vector<3136x256xf32>
    %get3A_77 = arith.constant 5 : index
    %get3A_78 = arith.constant 0 : index
    %get3A_79 = arith.constant 0 : index
    %get3A_80 = vector.load %arg2[%get3A_77, %get3A_78, %get3A_79] : memref<9x256x48xf32, #tpu.memory_space<vmem>>, vector<1x256x48xf32>
    %get3A_81 = vector.shape_cast %get3A_80 : vector<1x256x48xf32> to vector<256x48xf32>
    %dot_general3A_82 = arith.constant dense<0.000000e+00> : vector<3136x48xf32>
    %dot_general3A_83 = tpu.matmul %reshape3A_76, %get3A_81, %dot_general3A_82 {dimension_numbers = #tpu.dot_dimension_numbers<[1], [0], [0], [1], [0, 0, 1, 1], [], []>, transpose_lhs_hint = false} : vector<3136x256xf32>, vector<256x48xf32>, vector<3136x48xf32> -> vector<3136x48xf32>
    %add3A_84 = arith.addf %add3A_69, %dot_general3A_83 : vector<3136x48xf32>
    %get3A_85 = arith.constant 0 : index
    %get3A_86 = arith.constant 2 : index
    %get3A_87 = arith.constant 0 : index
    %get3A_88 = arith.constant 0 : index
    %get3A_89 = vector.load %arg1[%get3A_85, %get3A_86, %get3A_87, %get3A_88] : memref<1x58x58x256xf32, #tpu.memory_space<vmem>>, vector<1x56x56x256xf32>
    %get3A_90 = vector.shape_cast %get3A_89 : vector<1x56x56x256xf32> to vector<56x56x256xf32>
    %reshape3A_91 = vector.shape_cast %get3A_90 : vector<56x56x256xf32> to vector<3136x256xf32>
    %get3A_92 = arith.constant 6 : index
    %get3A_93 = arith.constant 0 : index
    %get3A_94 = arith.constant 0 : index
    %get3A_95 = vector.load %arg2[%get3A_92, %get3A_93, %get3A_94] : memref<9x256x48xf32, #tpu.memory_space<vmem>>, vector<1x256x48xf32>
    %get3A_96 = vector.shape_cast %get3A_95 : vector<1x256x48xf32> to vector<256x48xf32>
    %dot_general3A_97 = arith.constant dense<0.000000e+00> : vector<3136x48xf32>
    %dot_general3A_98 = tpu.matmul %reshape3A_91, %get3A_96, %dot_general3A_97 {dimension_numbers = #tpu.dot_dimension_numbers<[1], [0], [0], [1], [0, 0, 1, 1], [], []>, transpose_lhs_hint = false} : vector<3136x256xf32>, vector<256x48xf32>, vector<3136x48xf32> -> vector<3136x48xf32>
    %add3A_99 = arith.addf %add3A_84, %dot_general3A_98 : vector<3136x48xf32>
    %get3A_100 = arith.constant 0 : index
    %get3A_101 = arith.constant 2 : index
    %get3A_102 = arith.constant 1 : index
    %get3A_103 = arith.constant 0 : index
    %get3A_104 = vector.load %arg1[%get3A_100, %get3A_101, %get3A_102, %get3A_103] : memref<1x58x58x256xf32, #tpu.memory_space<vmem>>, vector<1x56x56x256xf32>
    %get3A_105 = vector.shape_cast %get3A_104 : vector<1x56x56x256xf32> to vector<56x56x256xf32>
    %reshape3A_106 = vector.shape_cast %get3A_105 : vector<56x56x256xf32> to vector<3136x256xf32>
    %get3A_107 = arith.constant 7 : index
    %get3A_108 = arith.constant 0 : index
    %get3A_109 = arith.constant 0 : index
    %get3A_110 = vector.load %arg2[%get3A_107, %get3A_108, %get3A_109] : memref<9x256x48xf32, #tpu.memory_space<vmem>>, vector<1x256x48xf32>
    %get3A_111 = vector.shape_cast %get3A_110 : vector<1x256x48xf32> to vector<256x48xf32>
    %dot_general3A_112 = arith.constant dense<0.000000e+00> : vector<3136x48xf32>
    %dot_general3A_113 = tpu.matmul %reshape3A_106, %get3A_111, %dot_general3A_112 {dimension_numbers = #tpu.dot_dimension_numbers<[1], [0], [0], [1], [0, 0, 1, 1], [], []>, transpose_lhs_hint = false} : vector<3136x256xf32>, vector<256x48xf32>, vector<3136x48xf32> -> vector<3136x48xf32>
    %add3A_114 = arith.addf %add3A_99, %dot_general3A_113 : vector<3136x48xf32>
    %get3A_115 = arith.constant 0 : index
    %get3A_116 = arith.constant 2 : index
    %get3A_117 = arith.constant 2 : index
    %get3A_118 = arith.constant 0 : index
    %get3A_119 = vector.load %arg1[%get3A_115, %get3A_116, %get3A_117, %get3A_118] : memref<1x58x58x256xf32, #tpu.memory_space<vmem>>, vector<1x56x56x256xf32>
    %get3A_120 = vector.shape_cast %get3A_119 : vector<1x56x56x256xf32> to vector<56x56x256xf32>
    %reshape3A_121 = vector.shape_cast %get3A_120 : vector<56x56x256xf32> to vector<3136x256xf32>
    %get3A_122 = arith.constant 8 : index
    %get3A_123 = arith.constant 0 : index
    %get3A_124 = arith.constant 0 : index
    %get3A_125 = vector.load %arg2[%get3A_122, %get3A_123, %get3A_124] : memref<9x256x48xf32, #tpu.memory_space<vmem>>, vector<1x256x48xf32>
    %get3A_126 = vector.shape_cast %get3A_125 : vector<1x256x48xf32> to vector<256x48xf32>
    %dot_general3A_127 = arith.constant dense<0.000000e+00> : vector<3136x48xf32>
    %dot_general3A_128 = tpu.matmul %reshape3A_121, %get3A_126, %dot_general3A_127 {dimension_numbers = #tpu.dot_dimension_numbers<[1], [0], [0], [1], [0, 0, 1, 1], [], []>, transpose_lhs_hint = false} : vector<3136x256xf32>, vector<256x48xf32>, vector<3136x48xf32> -> vector<3136x48xf32>
    %add3A_129 = arith.addf %add3A_114, %dot_general3A_128 : vector<3136x48xf32>
    %get3A_130 = arith.constant 0 : index
    %get3A_131 = arith.constant 0 : index
    %get3A_132 = vector.load %arg3[%get3A_130, %get3A_131] : memref<1x48xf32, #tpu.memory_space<vmem>>, vector<1x48xf32>
    %add3A_133 = vector.broadcast %get3A_132 : vector<1x48xf32> to vector<3136x48xf32>
    %add3A_134 = arith.addf %add3A_129, %add3A_133 : vector<3136x48xf32>
    %swap3A = arith.constant 0 : index
    %swap3A_135 = arith.constant 0 : index
    %swap3A_136 = arith.constant 0 : index
    %swap3A_137 = vector.load %arg4[%swap3A, %swap3A_135, %swap3A_136] : memref<1x3136x48xf32, #tpu.memory_space<vmem>>, vector<1x3136x48xf32>
    %swap3A_138 = vector.shape_cast %swap3A_137 : vector<1x3136x48xf32> to vector<3136x48xf32>
    %swap3A_139 = vector.shape_cast %add3A_134 : vector<3136x48xf32> to vector<1x3136x48xf32>
    tpu.vector_store %arg4[%swap3A, %swap3A_135, %swap3A_136], %swap3A_139 {strides = array<i32>} : memref<1x3136x48xf32, #tpu.memory_space<vmem>>, vector<1x3136x48xf32>,
    return
  }
  func.func @transform_0(%arg0: i32) -> (i32, i32, i32, i32) {
    %c0_i32 = arith.constant 0 : i32
    %c0_i32_0 = arith.constant 0 : i32
    %c0_i32_1 = arith.constant 0 : i32
    %c0_i32_2 = arith.constant 0 : i32
    return %arg0, %c0_i32, %c0_i32_0, %c0_i32_1 : i32, i32, i32, i32
  }
  func.func @transform_1(%arg0: i32) -> (i32, i32, i32) {
    %c0_i32 = arith.constant 0 : i32
    %c0_i32_0 = arith.constant 0 : i32
    %c0_i32_1 = arith.constant 0 : i32
    %c0_i32_2 = arith.constant 0 : i32
    return %c0_i32, %c0_i32_0, %c0_i32_1 : i32, i32, i32
  }
  func.func @transform_2(%arg0: i32) -> (i32, i32) {
    %c0_i32 = arith.constant 0 : i32
    %c0_i32_0 = arith.constant 0 : i32
    %c0_i32_1 = arith.constant 0 : i32
    return %c0_i32, %c0_i32_0 : i32, i32
  }
  func.func @transform_3(%arg0: i32) -> (i32, i32, i32) {
    %c0_i32 = arith.constant 0 : i32
    %c0_i32_0 = arith.constant 0 : i32
    %c0_i32_1 = arith.constant 0 : i32
    return %arg0, %c0_i32, %c0_i32_0 : i32, i32, i32
  }
}

</mosaic_0001>

<sc_bundles>
// kernel: kernel.8.cloned.1.call-start
scs
__scs_entry_jumppad:
0x0: {  	(pc) =	sbr.rel $0x88, $3  }
0x1: {  	(tag) =	ssettag $0x0;
	lr =	simm.s32 $0x1  }
0x2: {  	[smem:$0x3F97] =	sst lr;
	_ =	strace $0xD0000000  }
0x3: {  	_ = 	snop  }
0x4: {  	_ = 	snop  }
0x5: {  	_ = 	snop  }
0x6: {  	_ = 	snop  }
0x7: {  	_ = 	snop  }
__scs_overlays_trampoline_lowered:
0x8: {  	[smem:$0x3FA6] =	sst s0  }
0x9: {  	[smem:$0x3FA7] =	sst s1  }
0xa: {  	[smem:$0x3FA8] =	sst s2  }
0xb: {  	[smem:$0x3FA9] =	sst s3  }
0xc: {  	[smem:$0x3FAA] =	sst s4  }
0xd: {  	[smem:$0x3FAB] =	sst s5  }
0xe: {  	[smem:$0x3FAC] =	sst s6  }
0xf: {  	[smem:$0x3FAD] =	sst s7  }
0x10: {  	[smem:$0x3FAE] =	sst s8  }
0x11: {  	[smem:$0x3FAF] =	sst s9;
	s0 =	simm.s32 @!p0 $0x0  }
0x12: {  	s1 =	sld [smem:$0x3F95];
	s0 =	simm.s32 @p0 $0x1  }
0x13: {  	[smem:$0x3FB0] =	sst s0;
	s0 =	simm.s32 @!p1 $0x0  }
0x14: {  	s2 =	sld [smem:$0x3F94];
	s0 =	simm.s32 @p1 $0x1  }
0x15: {  	[smem:$0x3FB1] =	sst s0;
	s0 =	simm.s32 @!p2 $0x0  }
0x16: {  	s3 =	sld [smem:$0x3FDB];
	s0 =	simm.s32 @p2 $0x1  }
0x17: {  	s4 =	simm.s32 $0x1BF5;
	[smem:$0x3FB3] =	sst s0  }
0x18: {  	s0 =	sld [smem:$0x3F96];
	_ =	swait.ge [sflag:s4], $0x0  }
0x19: {  	s7 =	sld [smem:$0x3F97]  }
0x1a: {  	s8 =	sadd.s32 $0xFFFFE003, lr  }
0x1b: {  	s9 =	sadd.s32 $0xFFFFFEF7, lr;
	s5 =	simm.s32 $0xFFFFFFFF;
	p2 =	slt.u32 s8, $0xFFFFF086  }
0x1c: {  	p1 =	slt.u32 s9, $0xF7A;
	s5 =	simm.s32 @!p2 $0x0  }
0x1d: {  	s5 =	simm.s32 @p1 $0x1;
	p0 =	seq.s32 s7, s2  }
0x1e: {  	s7 =	smul.u32 @!p0 $0xF7A, s2;
	p2 =	seq.s32 @!p0 s5, $0x0  }
0x1f: {  	s9 =	smul.u32 $0xF7A, s1;
	s8 =	simm.s32 @!p0 $0x1BF5;
	p2 =	por !p2, p0  }
0x20: {  	[sflag:s8] =	ssyncset.s32 @!p0 $0xFFFFF086;
	s6 =	sadd.s32 @!p0 s3, s7;
	s7 =	simm.s32 @!p0 $0x108  }
0x21: {  	s3 =	sadd.s32 s3, s9;
	s6 =	sadd.s32 @!p0 $0x88, s6;
	s7 =	simm.s32 @p2 $0x1082  }
0x22: {  	[simem:s7], [sflag:s8] =	dma.local @!p0 [hbm:s6], $0xF7A  }
0x23: {  	s9 =	sor.u32 $0xD0000000, s2;
	s6 =	simm.s32 $0x108;
	_ =	swait.ge @!p0 [sflag:s8], $0x0  }
0x24: {  	s3 =	sadd.s32 $0x88, s3;
	s6 =	simm.s32 @!p1 $0x1082;
	[sflag:s4] =	ssyncset.s32 $0xFFFFF086  }
0x25: {  	[simem:s6], [sflag:s4] =	dma.local [hbm:s3], $0xF7A  }
0x26: {  	[smem:$0x3F97] =	sst s1;
	(tag) =	ssettag s2;
	_ =	strace s9  }
0x27: {  	s1 =	sld [smem:$0x3FA7]  }
0x28: {  	s2 =	sld [smem:$0x3FA8]  }
0x29: {  	s4 =	sld [smem:$0x3FAA]  }
0x2a: {  	p0 =	seq.s32 s5, $0x0;
	s5 =	sld [smem:$0x3FAB]  }
0x2b: {  	s6 =	sld [smem:$0x3FAC]  }
0x2c: {  	s7 =	sld [smem:$0x3FAD]  }
0x2d: {  	s3 =	simm.s32 $0x108;
	s8 =	sld [smem:$0x3FAE]  }
0x2e: {  	s3 =	simm.s32 @!p0 $0x1082;
	s9 =	sld [smem:$0x3FAF]  }
0x2f: {  	lr =	sadd.s32 s0, s3;
	s0 =	sld [smem:$0x3FA6]  }
0x30: {  	s3 =	sld [smem:$0x3FA9]  }
0x31: {  	[smem:$0x3FB2] =	sst s10  }
0x32: {  	s10 =	sld [smem:$0x3FB0];
	_ =	sdelay $0x3  }
0x33: {  	p0 =	seq.s32 s10, $0x1;
	s10 =	sld [smem:$0x3FB2];
	_ =	sdelay $0x3  }
0x34: {  	[smem:$0x3FB2] =	sst s10  }
0x35: {  	s10 =	sld [smem:$0x3FB1];
	_ =	sdelay $0x3  }
0x36: {  	p1 =	seq.s32 s10, $0x1;
	s10 =	sld [smem:$0x3FB2];
	_ =	sdelay $0x3  }
0x37: {  	[smem:$0x3FB2] =	sst s10  }
0x38: {  	s10 =	sld [smem:$0x3FB3]  }
0x39: {  	_ = 	snop;
	(pc) =	sbr.ind lr, $3  }
0x3a: {  	_ = 	snop  }
0x3b: {  	_ = 	snop  }
0x3c: {  	p2 =	seq.s32 s10, $0x1;
	s10 =	sld [smem:$0x3FB2]  }
0x3d: {  	_ =	shalt  }
0x3e: {  	_ =	shalt  }
0x3f: {  	_ =	shalt  }
0x40: {  	_ =	shalt  }
0x41: {  	_ =	shalt  }
0x42: {  	_ =	shalt  }
0x43: {  	_ =	shalt  }
0x44: {  	_ =	shalt  }
0x45: {  	_ =	shalt  }
0x46: {  	_ =	shalt  }
0x47: {  	_ =	shalt  }
0x48: {  	_ =	shalt  }
0x49: {  	_ =	shalt  }
0x4a: {  	_ =	shalt  }
0x4b: {  	_ =	shalt  }
0x4c: {  	_ =	shalt  }
0x4d: {  	_ =	shalt  }
0x4e: {  	_ =	shalt  }
0x4f: {  	_ =	shalt  }
0x50: {  	_ =	shalt  }
0x51: {  	_ =	shalt  }
0x52: {  	_ =	shalt  }
0x53: {  	_ =	shalt  }
0x54: {  	_ =	shalt  }
0x55: {  	_ =	shalt  }
0x56: {  	_ =	shalt  }
0x57: {  	_ =	shalt  }
0x58: {  	_ =	shalt  }
0x59: {  	_ =	shalt  }
0x5a: {  	_ =	shalt  }
0x5b: {  	_ =	shalt  }
0x5c: {  	_ =	shalt  }
0x5d: {  	_ =	shalt  }
0x5e: {  	_ =	shalt  }
0x5f: {  	_ =	shalt  }
0x60: {  	_ =	shalt  }
0x61: {  	_ =	shalt  }
0x62: {  	_ =	shalt  }
0x63: {  	_ =	shalt  }
0x64: {  	_ =	shalt  }
0x65: {  	_ =	shalt  }
0x66: {  	_ =	shalt  }
0x67: {  	_ =	shalt  }
0x68: {  	_ =	shalt  }
0x69: {  	_ =	shalt  }
0x6a: {  	_ =	shalt  }
0x6b: {  	_ =	shalt  }
0x6c: {  	_ =	shalt  }
0x6d: {  	_ =	shalt  }
0x6e: {  	_ =	shalt  }
0x6f: {  	_ =	shalt  }
0x70: {  	_ =	shalt  }
0x71: {  	_ =	shalt  }
0x72: {  	_ =	shalt  }
0x73: {  	_ =	shalt  }
0x74: {  	_ =	shalt  }
0x75: {  	_ =	shalt  }
0x76: {  	_ =	shalt  }
0x77: {  	_ =	shalt  }
0x78: {  	_ =	shalt  }
0x79: {  	_ =	shalt  }
0x7a: {  	_ =	shalt  }
0x7b: {  	_ =	shalt  }
0x7c: {  	_ =	shalt  }
0x7d: {  	_ =	shalt  }
0x7e: {  	_ =	shalt  }
0x7f: {  	_ =	shalt  }
0x80: {  	_ =	shalt  }
0x81: {  	_ =	shalt  }
0x82: {  	_ =	shalt  }
0x83: {  	_ =	shalt  }
0x84: {  	_ =	shalt  }
0x85: {  	_ =	shalt  }
0x86: {  	_ =	shalt  }
0x87: {  	_ =	shalt  }
.Lfunc_end0:
.L_simem_size_0:
called_computation_lowered:
.L_overlay_start_0:
0x88: {  	s2 =	sld [smem:$0x3FD9]  }
0x89: {  	s3 =	sld [smem:$0x3FFE];
	_ =	sdelay $0x1  }
0x8a: {  	s1 =	srdreg.scid  }
0x8b: {  	s0 =	sand.u32 $0x1, s1  }
0x8c: {  	s14 =	sshll.u32 s0, $0xA;
	s2 =	sadd.s32 s3, s2  }
0x8d: {  	s2 =	sadd.s32 s2, s14  }
0x8e: {  	[smem:$0x3FBE] =	sst s2  }
0x8f: {  	_ = 	snop  }
0x90: {  	s2 =	sld [smem:$0x3FD0];
	_ =	sdelay $0x2  }
0x91: {  	s15 =	simm.s32 $0xA;
	s4 =	simm.s32 $0x10  }
0x92: {  	[smem:s4], [sflag:s15] =	dma.local [hbm:s2], $0x1  }
0x93: {  	_ =	swait.eq [sflag:s15], $0x1  }
0x94: {  	[sflag:s15] =	ssyncset.done $0x0  }
0x95: {  	s16 =	sld [smem:$0x10];
	[sflag:s15] =	ssyncadd.s32 $0xFFFFFFFF  }
0x96: {  	s17 =	sld [smem:$0x11];
	(tm) =	ssettm $0x1  }
0x97: {  	s18 =	sld [smem:$0x3FFB];
	_ =	sdelay $0x3  }
0x98: {  	_ =	strace s18  }
0x99: {  	s4 =	sld [smem:$0x3FFC];
	_ =	sdelay $0x3  }
0x9a: {  	_ =	strace s4  }
0x9b: {  	s4 =	sld [smem:$0x3FFD];
	_ =	sdelay $0x3  }
0x9c: {  	_ =	strace s4  }
0x9d: {  	_ =	strace $0x8FFFFFFF  }
0x9e: {  	s19 =	sld [smem:$0x3FDB];
	_ =	sdelay $0x1  }
0x9f: {  	s5 =	simm.s32 $_scs_section_size  }
0xa0: {  	s6 =	simm.s32 $_size__tile_overlayer_lowered;
	s7 =	simm.s32 $_tile_overlayer_lowered  }
0xa1: {  	s22 =	simm.s32 $0x1BFF;
	s21 =	sshll.u32 s7, $0x1;
	s4 =	sadd.s32 s5, s19  }
0xa2: {  	s8 =	simm.s32 $0x0;
	s20 =	sshll.u32 s6, $0x1;
	s6 =	sadd.s32 s21, s4  }
0xa3: {  	[timem:s8], [sflag:s22] =	dma.local [hbm:s6], s20  }
0xa4: {  	_ =	swait.ge [sflag:s22], s20  }
0xa5: {  	s5 =	ssub.s32 $0x0, s20;
	[sflag:s22] =	ssyncset.done $0x0  }
0xa6: {  	[sflag:s22] =	ssyncadd.s32 s5;
	_ =	sdelay $0x1  }
0xa7: {  	s23 =	simm.s32 $0x1B8B  }
0xa8: {  	_ =	swait.ge [sflag:s23], $0x1  }
0xa9: {  	[sflag:s23] =	ssyncset.done $0x0  }
0xaa: {  	s25 =	simm.s32 $0x1B8E;
	s24 =	sld [smem:$0x3FFE];
	[sflag:s23] =	ssyncadd.s32 $0xFFFFFFFF  }
0xab: {  	s26 =	simm.s32 $execute0_lowered;
	[smem:$0x3FD2] =	sst s25  }
0xac: {  	s6 =	sshll.u32 s26, $0x1;
	_ =	strace $0x80000046;
	[dreg:$0x1] =	wrdreg $0xFFFFFFFF  }
0xad: {  	s28 =	simm.s32 $_size_execute0_lowered;
	s4 =	sadd.s32 s4, s6;
	[dreg:$0x0] =	wrdreg $0x0  }
0xae: {  	s6 =	sshll.u32 s28, $0x1;
	[dreg:$0x2] =	wrdreg s4  }
0xaf: {  	[dreg:$0x3] =	wrdreg s6  }
0xb0: {  	[dreg:$0x4] =	wrdreg $0xC0  }
0xb1: {  	_ =	task [dreg:s8], $0x5FFFF  }
0xb2: {  	[dreg:$0x1] =	wrdreg $0xFFFFFFFF  }
0xb3: {  	[dreg:$0x0] =	wrdreg $0x60  }
0xb4: {  	[dreg:$0x2] =	wrdreg s16  }
0xb5: {  	[dreg:$0x3] =	wrdreg s24  }
0xb6: {  	[dreg:$0x4] =	wrdreg s17  }
0xb7: {  	[dreg:$0x5] =	wrdreg $0x9  }
0xb8: {  	_ =	task.clear_ibuf [dreg:s8], $0x6FFFF;
	_ =	strace $0x90000046  }
0xb9: {  	s29 =	simm.s32 $0x9;
	_ =	strace $0x80000048  }
0xba: {  	_ =	swait.ge [sflag:s29], $0x1  }
0xbb: {  	[sflag:s29] =	ssyncadd.s32 $0xFFFFFFFF  }
0xbc: {  	_ =	strace $0x90000048  }
0xbd: {  	_ =	sfence  }
0xbe: {  	s30 =	sld [smem:$0x0];
	_ =	sdelay $0x2  }
0xbf: {  	s31 =	sshll.u32 s1, $0xD;
	s1 =	sshrl.u32 s1, $0x2  }
0xc0: {  	s3 =	sand.u32 $0x4000, s31;
	s1 =	sadd.s32 s1, s30  }
0xc1: {  	s0 =	sor.u32 s3, s0;
	s1 =	sshll.u32 s1, $0x11  }
0xc2: {  	s0 =	sor.u32 s1, s0  }
0xc3: {  	s0 =	sadd.s32 $0x8F2B, s0  }
0xc4: {  	[sflag:s0] =	ssyncadd.remote.s32 $0x1  }
0xc5: {  	_ =	sfence.sel $0xFFFF  }
0xc6: {  	[dreg:$0x0] =	wrdreg $0xFFFFFFFF;
	(pc) =	sbr.abs _section_cstart, $3  }
0xc7: {  	[dreg:$0x1] =	wrdreg $0xFFFFFFFF  }
0xc8: {  	_ =	task.clear_ibuf [dreg:s8], $0x2FFFF;
	_ =	strace $0x9FFFFFFF  }
0xc9: {  	(tm) =	ssettm $0x7FFFFFFF  }
tec
execute0_lowered:
.L_overlay_start_1:
0x0: {  	(tag) =	ssettag $0x1  }
0x1: {  	s0 =	srdreg.scid;
	s1 =	stileid.u32  }
0x2: {  	s30 =	sand.u32 $0x1, s0;
	s15 =	sshll.u32 s1, $0x1  }
0x3: {  	s2 =	rddreg [dreg:$0x0];
	s24 =	sor.u32 s30, s15  }
0x4: {  	s4 =	rddreg [dreg:$0x1];
	s13 =	smul.u32 $0x310, s24  }
0x5: {  	s31 =	rddreg [dreg:$0x2];
	s3 =	simm.s32 $0x0  }
0x6: {  	[smem:$0x7FF] =	sst s3;
	s14 =	sadd.s32 $0x3A00, s4;
	s16 =	sshrl.u32 s13, $0x3  }
0x7: {  	_ =	strace $0x80000047;
	s25 =	sadd.s32 $0x70, s13;
	s0 =	sadd.s32 s14, s16  }
0x8: {  	s26 =	sadd.s32 $0xE0, s13;
	s17 =	sshrl.u32 s25, $0x3;
	[dreg:$0x4] =	wrdreg s0  }
0x9: {  	s18 =	sshrl.u32 s26, $0x3;
	s0 =	sadd.s32 s14, s17;
	s5 =	rddreg [dreg:$0x4]  }
0xa: {  	s19 =	sadd.s32 s14, s18;
	[dreg:$0x5] =	wrdreg s0  }
0xb: {  	s4 =	simm.s32 $0x2;
	[dreg:$0x6] =	wrdreg s19  }
0xc: {  	[tilespmem:s3], [sflag:$0x2] =	stream.linear.gather [hbm4b:s5+s3], $0x70, $0x38;
	[tilespmem:$0x18C00] =	vst v63  }
0xd: {  	_ =	swait.ge [sflag:s4], $0x70  }
0xe: {  	[sflag:s4] =	ssyncset.done $0x0  }
0xf: {  	s5 =	simm.s32 $0x80;
	s20 =	rddreg [dreg:$0x5];
	[sflag:s4] =	ssyncadd.s32 $0xFFFFFF90  }
0x10: {  	[tilespmem:s5], [sflag:$0x2] =	stream.linear.gather [hbm4b:s20+s3], $0x70, $0x38;
	[tilespmem:$0x18C00] =	vst v63  }
0x11: {  	_ =	swait.ge [sflag:s4], $0x70  }
0x12: {  	[sflag:s4] =	ssyncset.done $0x0  }
0x13: {  	s6 =	simm.s32 $0x100;
	s21 =	rddreg [dreg:$0x6];
	[sflag:s4] =	ssyncadd.s32 $0xFFFFFF90  }
0x14: {  	[tilespmem:s6], [sflag:$0x2] =	stream.linear.gather [hbm4b:s21+s3], $0x70, $0x38;
	[tilespmem:$0x18C00] =	vst v63  }
0x15: {  	s28 =	sadd.s32 $0x150, s13;
	_ =	swait.ge [sflag:s4], $0x70  }
0x16: {  	s22 =	sshrl.u32 s28, $0x3;
	[sflag:s4] =	ssyncset.done $0x0  }
0x17: {  	s8 =	simm.s32 $0x180;
	s7 =	sadd.s32 s14, s22;
	[sflag:s4] =	ssyncadd.s32 $0xFFFFFF90  }
0x18: {  	[tilespmem:s8], [sflag:$0x2] =	stream.linear.gather [hbm4b:s7+s3], $0x70, $0x38;
	[tilespmem:$0x18C00] =	vst v63  }
0x19: {  	s29 =	sadd.s32 $0x1C0, s13;
	_ =	swait.ge [sflag:s4], $0x70  }
0x1a: {  	s23 =	sshrl.u32 s29, $0x3;
	[sflag:s4] =	ssyncset.done $0x0  }
0x1b: {  	s10 =	simm.s32 $0x200;
	s9 =	sadd.s32 s14, s23;
	[sflag:s4] =	ssyncadd.s32 $0xFFFFFF90  }
0x1c: {  	[tilespmem:s10], [sflag:$0x2] =	stream.linear.gather [hbm4b:s9+s3], $0x70, $0x38;
	[tilespmem:$0x18C00] =	vst v63  }
0x1d: {  	s12 =	simm.s32 $0x280;
	s1 =	sadd.s32 $0x230, s13;
	_ =	swait.ge [sflag:s4], $0x70  }
0x1e: {  	s13 =	sadd.s32 $0x2A0, s13;
	s11 =	sshrl.u32 s1, $0x3;
	[sflag:s4] =	ssyncset.done $0x0  }
0x1f: {  	s11 =	sadd.s32 s14, s11;
	[dreg:$0x7] =	wrdreg s13;
	[sflag:s4] =	ssyncadd.s32 $0xFFFFFF90  }
0x20: {  	[tilespmem:s12], [sflag:$0x2] =	stream.linear.gather [hbm4b:s11+s3], $0x70, $0x38;
	[tilespmem:$0x18C00] =	vst v63  }
0x21: {  	_ =	swait.ge [sflag:s4], $0x70  }
0x22: {  	s13 =	sshrl.u32 s13, $0x3;
	[sflag:s4] =	ssyncset.done $0x0  }
0x23: {  	s13 =	sadd.s32 s14, s13;
	s14 =	simm.s32 $0x300;
	[sflag:s4] =	ssyncadd.s32 $0xFFFFFF90  }
0x24: {  	[tilespmem:s14], [sflag:$0x2] =	stream.linear.gather [hbm4b:s13+s3], $0x70, $0x38;
	[tilespmem:$0x18C00] =	vst v63  }
0x25: {  	_ =	swait.ge [sflag:s4], $0x70  }
0x26: {  	[sflag:s4] =	ssyncset.done $0x0  }
0x27: {  	s15 =	simm.s32 $0x70;
	s16 =	simm.s32 $0x400;
	[sflag:s4] =	ssyncadd.s32 $0xFFFFFF90  }
0x28: {  	[tilespmem:s16], [sflag:$0x1] =	stream.indirect.gather [hbm4b:s2+s15], $0x80, s3, s15, $0xb8;
	[tilespmem:$0x18C00] =	vst v63  }
0x29: {  	s17 =	simm.s32 $0x3C00  }
0x2a: {  	[tilespmem:s17], [sflag:$0x1] =	stream.indirect.gather [hbm4b:s2+s15], $0x80, s5, s15, $0xb8;
	[tilespmem:$0x18C00] =	vst v63  }
0x2b: {  	s18 =	simm.s32 $0x7400  }
0x2c: {  	[tilespmem:s18], [sflag:$0x1] =	stream.indirect.gather [hbm4b:s2+s15], $0x80, s6, s15, $0xb8;
	[tilespmem:$0x18C00] =	vst v63  }
0x2d: {  	s19 =	simm.s32 $0xAC00  }
0x2e: {  	[tilespmem:s19], [sflag:$0x1] =	stream.indirect.gather [hbm4b:s2+s15], $0x80, s8, s15, $0xb8;
	[tilespmem:$0x18C00] =	vst v63  }
0x2f: {  	s20 =	simm.s32 $0xE400  }
0x30: {  	[tilespmem:s20], [sflag:$0x1] =	stream.indirect.gather [hbm4b:s2+s15], $0x80, s10, s15, $0xb8;
	[tilespmem:$0x18C00] =	vst v63  }
0x31: {  	s21 =	simm.s32 $0x11C00  }
0x32: {  	[tilespmem:s21], [sflag:$0x1] =	stream.indirect.gather [hbm4b:s2+s15], $0x80, s12, s15, $0xb8;
	[tilespmem:$0x18C00] =	vst v63  }
0x33: {  	s22 =	simm.s32 $0x15400;
	s23 =	simm.s32 $0x1  }
0x34: {  	[tilespmem:s22], [sflag:$0x1] =	stream.indirect.gather [hbm4b:s2+s15], $0x80, s14, s15, $0xb8;
	[tilespmem:$0x18C00] =	vst v63  }
0x35: {  	_ =	swait.ge [sflag:s23], $0x3800  }
0x36: {  	[sflag:s23] =	ssyncset.done $0x0  }
0x37: {  	[sflag:s23] =	ssyncadd.s32 $0xFFFFC800  }
0x38: {  	_ =	swait.ge [sflag:s23], $0x3800  }
0x39: {  	[sflag:s23] =	ssyncset.done $0x0  }
0x3a: {  	[sflag:s23] =	ssyncadd.s32 $0xFFFFC800  }
0x3b: {  	_ =	swait.ge [sflag:s23], $0x3800  }
0x3c: {  	[sflag:s23] =	ssyncset.done $0x0  }
0x3d: {  	[sflag:s23] =	ssyncadd.s32 $0xFFFFC800  }
0x3e: {  	_ =	swait.ge [sflag:s23], $0x3800  }
0x3f: {  	[sflag:s23] =	ssyncset.done $0x0  }
0x40: {  	[sflag:s23] =	ssyncadd.s32 $0xFFFFC800  }
0x41: {  	_ =	swait.ge [sflag:s23], $0x3800  }
0x42: {  	[sflag:s23] =	ssyncset.done $0x0  }
0x43: {  	[sflag:s23] =	ssyncadd.s32 $0xFFFFC800  }
0x44: {  	_ =	swait.ge [sflag:s23], $0x3800  }
0x45: {  	[sflag:s23] =	ssyncset.done $0x0  }
0x46: {  	[sflag:s23] =	ssyncadd.s32 $0xFFFFC800  }
0x47: {  	s24 =	smul.u32 $0x3100, s24;
	_ =	swait.ge [sflag:s23], $0x3800  }
0x48: {  	[sflag:s23] =	ssyncset.done $0x0  }
0x49: {  	s24 =	sadd.s32 s31, s24;
	[sflag:s23] =	ssyncadd.s32 $0xFFFFC800  }
0x4a: {  	[hbm4b:s24+s3] =	stream.linear.scatter [tilespmem:s16], [sflag:$0x2], $0x3800, $0x38;
	[tilespmem:$0x18C00] =	vst v63  }
0x4b: {  	_ =	swait.ge [sflag:s4], $0x3800  }
0x4c: {  	s25 =	sshll.u32 s25, $0x4;
	[sflag:s4] =	ssyncset.done $0x0  }
0x4d: {  	s25 =	sadd.s32 s31, s25;
	[sflag:s4] =	ssyncadd.s32 $0xFFFFC800  }
0x4e: {  	[hbm4b:s25+s3] =	stream.linear.scatter [tilespmem:s17], [sflag:$0x2], $0x3800, $0x38;
	[tilespmem:$0x18C00] =	vst v63  }
0x4f: {  	_ =	swait.ge [sflag:s4], $0x3800  }
0x50: {  	s26 =	sshll.u32 s26, $0x4;
	[sflag:s4] =	ssyncset.done $0x0  }
0x51: {  	s26 =	sadd.s32 s31, s26;
	[sflag:s4] =	ssyncadd.s32 $0xFFFFC800  }
0x52: {  	[hbm4b:s26+s3] =	stream.linear.scatter [tilespmem:s18], [sflag:$0x2], $0x3800, $0x38;
	[tilespmem:$0x18C00] =	vst v63  }
0x53: {  	_ =	swait.ge [sflag:s4], $0x3800  }
0x54: {  	s28 =	sshll.u32 s28, $0x4;
	[sflag:s4] =	ssyncset.done $0x0  }
0x55: {  	s28 =	sadd.s32 s31, s28;
	[sflag:s4] =	ssyncadd.s32 $0xFFFFC800  }
0x56: {  	[hbm4b:s28+s3] =	stream.linear.scatter [tilespmem:s19], [sflag:$0x2], $0x3800, $0x38;
	[tilespmem:$0x18C00] =	vst v63  }
0x57: {  	_ =	swait.ge [sflag:s4], $0x3800  }
0x58: {  	s29 =	sshll.u32 s29, $0x4;
	s1 =	sshll.u32 s1, $0x4;
	[sflag:s4] =	ssyncset.done $0x0  }
0x59: {  	s29 =	sadd.s32 s31, s29;
	s0 =	ssub.s32 $0x2, s30;
	[sflag:s4] =	ssyncadd.s32 $0xFFFFC800  }
0x5a: {  	[hbm4b:s29+s3] =	stream.linear.scatter [tilespmem:s20], [sflag:$0x2], $0x3800, $0x38;
	[tilespmem:$0x18C00] =	vst v63  }
0x5b: {  	s30 =	sadd.s32 s31, s1;
	s1 =	sshrl.u32 s0, $0x1;
	_ =	swait.ge [sflag:s4], $0x3800  }
0x5c: {  	s0 =	ssub.s32 s0, s1;
	[sflag:s4] =	ssyncset.done $0x0  }
0x5d: {  	s0 =	smax.u32 s0, $0x1;
	[sflag:s4] =	ssyncadd.s32 $0xFFFFC800  }
0x5e: {  	[hbm4b:s30+s3] =	stream.linear.scatter [tilespmem:s21], [sflag:$0x2], $0x3800, $0x38;
	[tilespmem:$0x18C00] =	vst v63  }
0x5f: {  	p0 =	sne.s32 s0, $0x1;
	_ =	swait.ge [sflag:s4], $0x3800  }
.Ltmp0:
0x60: {  	s1 =	rddreg [dreg:$0x7];
	(pc) =	sbr.rel @!p0 .LBB2_2-.Ltmp0, $4  }
0x61: {  	[sflag:s4] =	ssyncset.done $0x0;
	s1 =	sshll.u32 s1, $0x4  }
0x62: {  	[sflag:s4] =	ssyncadd.s32 $0xFFFFC800;
	s31 =	sadd.s32 s31, s1  }
0x63: {  	[hbm4b:s31+s3] =	stream.linear.scatter [tilespmem:s22], [sflag:$0x2], $0x3800, $0x38;
	[tilespmem:$0x18C00] =	vst v63  }
0x64: {  	s1 =	sadd.s32 $0xFFFFFFFF, s0;
	_ =	swait.ge [sflag:s4], $0x3800  }
.LBB2_1:
0x65: {  	[sflag:s4] =	ssyncset.done $0x0  }
0x66: {  	s0 =	rddreg [dreg:$0x4];
	[sflag:s4] =	ssyncadd.s32 $0xFFFFC800  }
0x67: {  	[tilespmem:s3], [sflag:$0x2] =	stream.linear.gather [hbm4b:s0+s3], $0x70, $0x38;
	[tilespmem:$0x18C00] =	vst v63  }
0x68: {  	_ =	swait.ge [sflag:s4], $0x70  }
0x69: {  	[sflag:s4] =	ssyncset.done $0x0  }
0x6a: {  	s0 =	rddreg [dreg:$0x5];
	[sflag:s4] =	ssyncadd.s32 $0xFFFFFF90  }
0x6b: {  	[tilespmem:s5], [sflag:$0x2] =	stream.linear.gather [hbm4b:s0+s3], $0x70, $0x38;
	[tilespmem:$0x18C00] =	vst v63  }
0x6c: {  	_ =	swait.ge [sflag:s4], $0x70  }
0x6d: {  	[sflag:s4] =	ssyncset.done $0x0  }
0x6e: {  	s0 =	rddreg [dreg:$0x6];
	[sflag:s4] =	ssyncadd.s32 $0xFFFFFF90  }
0x6f: {  	[tilespmem:s6], [sflag:$0x2] =	stream.linear.gather [hbm4b:s0+s3], $0x70, $0x38;
	[tilespmem:$0x18C00] =	vst v63  }
0x70: {  	_ =	swait.ge [sflag:s4], $0x70  }
0x71: {  	[sflag:s4] =	ssyncset.done $0x0  }
0x72: {  	[sflag:s4] =	ssyncadd.s32 $0xFFFFFF90  }
0x73: {  	[tilespmem:s8], [sflag:$0x2] =	stream.linear.gather [hbm4b:s7+s3], $0x70, $0x38;
	[tilespmem:$0x18C00] =	vst v63  }
0x74: {  	_ =	swait.ge [sflag:s4], $0x70  }
0x75: {  	[sflag:s4] =	ssyncset.done $0x0  }
0x76: {  	[sflag:s4] =	ssyncadd.s32 $0xFFFFFF90  }
0x77: {  	[tilespmem:s10], [sflag:$0x2] =	stream.linear.gather [hbm4b:s9+s3], $0x70, $0x38;
	[tilespmem:$0x18C00] =	vst v63  }
0x78: {  	_ =	swait.ge [sflag:s4], $0x70  }
0x79: {  	[sflag:s4] =	ssyncset.done $0x0  }
0x7a: {  	[sflag:s4] =	ssyncadd.s32 $0xFFFFFF90  }
0x7b: {  	[tilespmem:s12], [sflag:$0x2] =	stream.linear.gather [hbm4b:s11+s3], $0x70, $0x38;
	[tilespmem:$0x18C00] =	vst v63  }
0x7c: {  	_ =	swait.ge [sflag:s4], $0x70  }
0x7d: {  	[sflag:s4] =	ssyncset.done $0x0  }
0x7e: {  	[sflag:s4] =	ssyncadd.s32 $0xFFFFFF90  }
0x7f: {  	[tilespmem:s14], [sflag:$0x2] =	stream.linear.gather [hbm4b:s13+s3], $0x70, $0x38;
	[tilespmem:$0x18C00] =	vst v63  }
0x80: {  	_ =	swait.ge [sflag:s4], $0x70  }
0x81: {  	[sflag:s4] =	ssyncset.done $0x0  }
0x82: {  	[sflag:s4] =	ssyncadd.s32 $0xFFFFFF90  }
0x83: {  	[tilespmem:s16], [sflag:$0x1] =	stream.indirect.gather [hbm4b:s2+s15], $0x80, s3, s15, $0xb8;
	[tilespmem:$0x18C00] =	vst v63  }
0x84: {  	_ = 	snop  }
0x85: {  	[tilespmem:s17], [sflag:$0x1] =	stream.indirect.gather [hbm4b:s2+s15], $0x80, s5, s15, $0xb8;
	[tilespmem:$0x18C00] =	vst v63  }
0x86: {  	_ = 	snop  }
0x87: {  	[tilespmem:s18], [sflag:$0x1] =	stream.indirect.gather [hbm4b:s2+s15], $0x80, s6, s15, $0xb8;
	[tilespmem:$0x18C00] =	vst v63  }
0x88: {  	_ = 	snop  }
0x89: {  	[tilespmem:s19], [sflag:$0x1] =	stream.indirect.gather [hbm4b:s2+s15], $0x80, s8, s15, $0xb8;
	[tilespmem:$0x18C00] =	vst v63  }
0x8a: {  	_ = 	snop  }
0x8b: {  	[tilespmem:s20], [sflag:$0x1] =	stream.indirect.gather [hbm4b:s2+s15], $0x80, s10, s15, $0xb8;
	[tilespmem:$0x18C00] =	vst v63  }
0x8c: {  	_ = 	snop  }
0x8d: {  	[tilespmem:s21], [sflag:$0x1] =	stream.indirect.gather [hbm4b:s2+s15], $0x80, s12, s15, $0xb8;
	[tilespmem:$0x18C00] =	vst v63  }
0x8e: {  	_ = 	snop  }
0x8f: {  	[tilespmem:s22], [sflag:$0x1] =	stream.indirect.gather [hbm4b:s2+s15], $0x80, s14, s15, $0xb8;
	[tilespmem:$0x18C00] =	vst v63  }
0x90: {  	_ =	swait.ge [sflag:s23], $0x3800  }
0x91: {  	[sflag:s23] =	ssyncset.done $0x0  }
0x92: {  	[sflag:s23] =	ssyncadd.s32 $0xFFFFC800  }
0x93: {  	_ =	swait.ge [sflag:s23], $0x3800  }
0x94: {  	[sflag:s23] =	ssyncset.done $0x0  }
0x95: {  	[sflag:s23] =	ssyncadd.s32 $0xFFFFC800  }
0x96: {  	_ =	swait.ge [sflag:s23], $0x3800  }
0x97: {  	[sflag:s23] =	ssyncset.done $0x0  }
0x98: {  	[sflag:s23] =	ssyncadd.s32 $0xFFFFC800  }
0x99: {  	_ =	swait.ge [sflag:s23], $0x3800  }
0x9a: {  	[sflag:s23] =	ssyncset.done $0x0  }
0x9b: {  	[sflag:s23] =	ssyncadd.s32 $0xFFFFC800  }
0x9c: {  	_ =	swait.ge [sflag:s23], $0x3800  }
0x9d: {  	[sflag:s23] =	ssyncset.done $0x0  }
0x9e: {  	[sflag:s23] =	ssyncadd.s32 $0xFFFFC800  }
0x9f: {  	_ =	swait.ge [sflag:s23], $0x3800  }
0xa0: {  	[sflag:s23] =	ssyncset.done $0x0  }
0xa1: {  	[sflag:s23] =	ssyncadd.s32 $0xFFFFC800  }
0xa2: {  	_ =	swait.ge [sflag:s23], $0x3800  }
0xa3: {  	[sflag:s23] =	ssyncset.done $0x0  }
0xa4: {  	[sflag:s23] =	ssyncadd.s32 $0xFFFFC800  }
0xa5: {  	[hbm4b:s24+s3] =	stream.linear.scatter [tilespmem:s16], [sflag:$0x2], $0x3800, $0x38;
	[tilespmem:$0x18C00] =	vst v63  }
0xa6: {  	_ =	swait.ge [sflag:s4], $0x3800  }
0xa7: {  	[sflag:s4] =	ssyncset.done $0x0  }
0xa8: {  	[sflag:s4] =	ssyncadd.s32 $0xFFFFC800  }
0xa9: {  	[hbm4b:s25+s3] =	stream.linear.scatter [tilespmem:s17], [sflag:$0x2], $0x3800, $0x38;
	[tilespmem:$0x18C00] =	vst v63  }
0xaa: {  	_ =	swait.ge [sflag:s4], $0x3800  }
0xab: {  	[sflag:s4] =	ssyncset.done $0x0  }
0xac: {  	[sflag:s4] =	ssyncadd.s32 $0xFFFFC800  }
0xad: {  	[hbm4b:s26+s3] =	stream.linear.scatter [tilespmem:s18], [sflag:$0x2], $0x3800, $0x38;
	[tilespmem:$0x18C00] =	vst v63  }
0xae: {  	_ =	swait.ge [sflag:s4], $0x3800  }
0xaf: {  	[sflag:s4] =	ssyncset.done $0x0  }
0xb0: {  	[sflag:s4] =	ssyncadd.s32 $0xFFFFC800  }
0xb1: {  	[hbm4b:s28+s3] =	stream.linear.scatter [tilespmem:s19], [sflag:$0x2], $0x3800, $0x38;
	[tilespmem:$0x18C00] =	vst v63  }
0xb2: {  	_ =	swait.ge [sflag:s4], $0x3800  }
0xb3: {  	[sflag:s4] =	ssyncset.done $0x0  }
0xb4: {  	[sflag:s4] =	ssyncadd.s32 $0xFFFFC800  }
0xb5: {  	[hbm4b:s29+s3] =	stream.linear.scatter [tilespmem:s20], [sflag:$0x2], $0x3800, $0x38;
	[tilespmem:$0x18C00] =	vst v63  }
0xb6: {  	_ =	swait.ge [sflag:s4], $0x3800  }
0xb7: {  	[sflag:s4] =	ssyncset.done $0x0  }
0xb8: {  	p0 =	sne.s32 s1, $0x1;
	[sflag:s4] =	ssyncadd.s32 $0xFFFFC800  }
0xb9: {  	[hbm4b:s30+s3] =	stream.linear.scatter [tilespmem:s21], [sflag:$0x2], $0x3800, $0x38;
	[tilespmem:$0x18C00] =	vst v63  }
.Ltmp1:
0xba: {  	_ =	swait.ge [sflag:s4], $0x3800;
	(pc) =	sbr.rel @p0 .LBB2_1-.Ltmp1, $4  }
0xbb: {  	[sflag:s4] =	ssyncset.done $0x0  }
0xbc: {  	[sflag:s4] =	ssyncadd.s32 $0xFFFFC800  }
0xbd: {  	[hbm4b:s31+s3] =	stream.linear.scatter [tilespmem:s22], [sflag:$0x2], $0x3800, $0x38;
	[tilespmem:$0x18C00] =	vst v63  }
0xbe: {  	s1 =	sadd.s32 $0xFFFFFFFF, s1;
	_ =	swait.ge [sflag:s4], $0x3800  }
.LBB2_2:
0xbf: {  	[sflag:s4] =	ssyncset.done $0x0  }
0xc0: {  	[sflag:s4] =	ssyncadd.s32 $0xFFFFC800  }
0xc1: {  	_ =	sfence.sel $0x180000  }
0xc2: {  	[bflag:$0x0] =	sbarrier.arrive $0xFFFF  }
0xc3: {  	_ =	strace $0x90000047  }
0xc4: {  	s0 =	stileid.u32;
	[bflag:$0x2] =	sbarrier.arrive $0xFFFF  }
0xc5: {  	p0 =	sne.s32 s0, $0x0;
	s0 =	rddreg [dreg:$0x3]  }
0xc6: {  	s0 =	sadd.s32 @!p0 $0x100000, s0  }
0xc7: {  	[sflag:s0] =	ssyncadd.tile.s32 @!p0 $0x1;
	_ =	shalt  }
.Lfunc_end2:
_tile_overlayer_lowered:
.L_overlay_start_2:
0xc8: {  	(tag) =	ssettag $0x2  }
0xc9: {  	s0 =	rddreg [dreg:$0x0];
	s2 =	stileid.u32  }
0xca: {  	s1 =	rddreg [dreg:$0x1];
	p0 =	sne.s32 s2, $0x0  }
0xcb: {  	s3 =	rddreg [dreg:$0x2];
	[bflag:$0x3] =	sbarrier.arrive $0xFFFF;
	s2 =	simm.s32 @!p0 $0x1C02  }
0xcc: {  	[timem:s3], [sflag:s2] =	dma.local @!p0 [hbm:s0], s1  }
0xcd: {  	s0 =	simm.s32 @!p0 $0x2  }
0xce: {  	_ =	swait.ge @!p0 [sflag:s0], s1  }
0xcf: {  	s1 =	ssub.s32 @!p0 $0x0, s1;
	[sflag:s0] =	ssyncset.done @!p0 $0x0  }
0xd0: {  	[sflag:s0] =	ssyncadd.s32 @!p0 s1  }
0xd1: {  	[bflag:$0x3] =	sbarrier.arrive $0xFFFF  }
0xd2: {  	_ =	shalt  }

</sc_bundles>
